<compile_context>
chip_gen: v7x
topology: tpu7x:2x2x1
jax: 0.10.2.dev20260603
libtpu: 0.0.44.dev20260713+nightly
codegen_flags: <defaults>
</compile_context>

<pallas_src>
import jax
import jax.numpy as jnp
from jax import lax
from jax.experimental import pallas as pl
from jax.experimental.pallas import tpu as pltpu
from jax.experimental.pallas import tpu_sc as plsc

N_ATOMS = 4194304
N_SYSTEMS = 16384
N_SPECIES = 10
NC = 2
NS = 16
L = 16
NW = NC * NS
APW = N_ATOMS // NW
CHUNK = 16384
NCHUNK = APW // CHUNK


def _sc_body(species_hbm, sys_hbm, table_hbm, out_hbm,
             table_v, acc_v, sp_v, sy_v, sem0, sem1):
    c = lax.axis_index("c")
    s = lax.axis_index("s")
    wid = s * NC + c
    base = wid * APW
    sems = (sem0, sem1)

    zeros = jnp.zeros((L,), jnp.float32)

    def _issue(ci, b):
        off = base + ci * CHUNK
        pltpu.async_copy(species_hbm.at[pl.ds(off, CHUNK)], sp_v.at[b],
                         sems[b])
        pltpu.async_copy(sys_hbm.at[pl.ds(off, CHUNK)], sy_v.at[b], sems[b])

    def _wait(ci, b):
        off = base + ci * CHUNK
        pltpu.make_async_copy(species_hbm.at[pl.ds(off, CHUNK)], sp_v.at[b],
                              sems[b]).wait()
        pltpu.make_async_copy(sys_hbm.at[pl.ds(off, CHUNK)], sy_v.at[b],
                              sems[b]).wait()

    lane = lax.iota(jnp.int32, L)
    is_last = lane == (L - 1)
    shift1 = jnp.minimum(lane + 1, L - 1)

    def _compute(b, tv):
        @plsc.parallel_loop(0, CHUNK, step=L, unroll=8)
        def _atoms(i):
            sp = sp_v[b, pl.ds(i, L)]
            sy = sy_v[b, pl.ds(i, L)]
            sy2 = sy.at[shift1].get(mode="promise_in_bounds")
            e = tv.at[sp].get(mode="promise_in_bounds")
            c = plsc.cumsum(e)
            mb = sy != sy2
            me = jnp.logical_or(mb, is_last)
            plsc.addupdate_scatter(acc_v, [sy], c, mask=me)
            plsc.addupdate_scatter(acc_v, [sy2], -c, mask=mb)

    _issue(0, 0)
    _issue(1, 1)
    pltpu.sync_copy(table_hbm, table_v.at[pl.ds(0, N_SPECIES)])
    tv = table_v[...]

    @plsc.parallel_loop(0, N_SYSTEMS, step=L, unroll=8)
    def _zero(i):
        acc_v[pl.ds(i, L)] = zeros

    def pair_body(p, carry):
        ci0 = p * 2
        for b in range(2):
            ci = ci0 + b
            _wait(ci, b)
            _compute(b, tv)

            @pl.when(ci + 2 < NCHUNK)
            def _():
                _issue(ci + 2, b)
        return carry

    lax.fori_loop(0, NCHUNK // 2, pair_body, None)
    pltpu.sync_copy(acc_v, out_hbm.at[wid])


_sc_kernel = pl.kernel(
    _sc_body,
    out_type=jax.ShapeDtypeStruct((NW, N_SYSTEMS), jnp.float32),
    mesh=plsc.VectorSubcoreMesh(core_axis_name="c", subcore_axis_name="s"),
    compiler_params=pltpu.CompilerParams(needs_layout_passes=False),
    scratch_types=[
        pltpu.VMEM((L,), jnp.float32),
        pltpu.VMEM((N_SYSTEMS,), jnp.float32),
        pltpu.VMEM((2, CHUNK), jnp.int32),
        pltpu.VMEM((2, CHUNK), jnp.int32),
        pltpu.SemaphoreType.DMA,
        pltpu.SemaphoreType.DMA,
    ],
)


def _reduce_body(p_ref, o_ref):
    o_ref[...] = jnp.sum(p_ref[...], axis=0, keepdims=True)


_reduce = pl.pallas_call(
    _reduce_body,
    out_shape=jax.ShapeDtypeStruct((1, N_SYSTEMS), jnp.float32),
)


def kernel(species, system_ids, n_systems, energy_table):
    partials = _sc_kernel(species, system_ids, energy_table)
    energy = _reduce(partials)
    return jnp.reshape(energy, (N_SYSTEMS, 1))

# --- scband reference (transcript-rebuilt; emitter-appended) ---
"""Pipeline reference for scband-single-atom-energy-71433896067241 (READ-ONLY COPY).

The authoritative reference and input builder live on the scoring server;
editing this copy changes nothing except your own understanding.
"""

import jax, jax.numpy as jnp
import numpy as np

N_ATOMS = 4194304
N_SYSTEMS = 16384
N_SPECIES = 10

def setup_inputs(seed: int = 0) -> dict:
    key = jax.random.key(seed)
    k1, k2, k3 = jax.random.split(key, 3)
    species = jax.random.randint(k1, (N_ATOMS,), 0, N_SPECIES)
    system_ids = jnp.sort(jax.random.randint(k2, (N_ATOMS,), 0, N_SYSTEMS))
    # learned/fixed per-species isolated-atom energies (the 'embedding table')
    energy_table = jax.random.normal(k3, (N_SPECIES,), dtype=jnp.float32) * 1000.0
    return {"species": species, "system_ids": system_ids, "n_systems": N_SYSTEMS, "energy_table": energy_table}

def reference(species, system_ids, n_systems, energy_table):
    # Faithful translation of SingleAtomEnergy.forward on a batch of systems
    # flattened into (species, system_ids): for each system i,
    # energy[i] = sum over its atoms of energy_by_species[species].
    per_atom_energy = jnp.take(energy_table, species, axis=0)  # gather: embedding lookup
    n_systems_arr = jnp.asarray(n_systems)
    segment_ids = system_ids + jnp.zeros((), system_ids.dtype) * n_systems_arr.astype(system_ids.dtype)
    energy = jax.ops.segment_sum(per_atom_energy, segment_ids, num_segments=N_SYSTEMS)
    return energy[:, None]  # shape (n_systems, 1), matching torch.zeros((len(systems), 1))

if __name__ == "__main__":
    import jax
    _d = setup_inputs()
    print(jax.jit(kernel)(*tuple(_d.values())))

</pallas_src>

<mosaic_0001>
#map = affine_map<(d0, d1) -> (0)>
#map1 = affine_map<(d0, d1) -> (0, 0)>
module attributes {stable_mosaic.version = 14 : i64} {
  func.func @_sc_body(%arg0: i32, %arg1: i32, %arg2: memref<4194304xi32, #tpu.memory_space<hbm>>, %arg3: memref<4194304xi32, #tpu.memory_space<hbm>>, %arg4: memref<10xf32, #tpu.memory_space<hbm>>, %arg5: memref<32x16384xf32, #tpu.memory_space<hbm>>, %arg6: memref<16xf32, #tpu.memory_space<vmem>>, %arg7: memref<16384xf32, #tpu.memory_space<vmem>>, %arg8: memref<2x16384xi32, #tpu.memory_space<vmem>>, %arg9: memref<2x16384xi32, #tpu.memory_space<vmem>>, %arg10: memref<!tpu.dma_semaphore, #tpu.memory_space<semaphore_mem>>, %arg11: memref<!tpu.dma_semaphore, #tpu.memory_space<semaphore_mem>>) attributes {dimension_semantics = [#tpu.dimension_semantics<core_parallel>, #tpu.dimension_semantics<subcore_parallel>], iteration_bounds = array<i64: 2, 16>, scalar_prefetch = 0 : i64, scratch_operands = 6 : i64, tpu.core_type = #tpu.core_type<sc_vector_subcore>, window_params = [{transform_indices = #map}, {transform_indices = #map}, {transform_indices = #map}, {transform_indices = #map1}]} {
    %mul3A = arith.constant 2 : i32
    %mul3A_0 = arith.muli %arg1, %mul3A : i32
    %add3A = arith.addi %mul3A_0, %arg0 : i32
    %mul3A_1 = arith.constant 131072 : i32
    %mul3A_2 = arith.muli %add3A, %mul3A_1 : i32
    %broadcast_in_dim3A = arith.constant 0.000000e+00 : f32
    %broadcast_in_dim3A_3 = vector.broadcast %broadcast_in_dim3A : f32 to vector<16xf32>
    %iota3A = tpu.iota {dimensions = array<i32: 0>} : vector<16xi32>
    %eq3A = arith.constant 15 : i32
    %eq3A_4 = vector.broadcast %eq3A : i32 to vector<16xi32>
    %eq3A_5 = arith.cmpi eq, %iota3A, %eq3A_4 : vector<16xi32>
    %add3A_6 = arith.constant 1 : i32
    %add3A_7 = vector.broadcast %add3A_6 : i32 to vector<16xi32>
    %add3A_8 = arith.addi %iota3A, %add3A_7 : vector<16xi32>
    %min3A = arith.constant 15 : i32
    %min3A_9 = vector.broadcast %min3A : i32 to vector<16xi32>
    %min3A_10 = arith.minsi %add3A_8, %min3A_9 : vector<16xi32>
    %add3A_11 = arith.constant 0 : i32
    %add3A_12 = arith.addi %mul3A_2, %add3A_11 : i32
    %dma_start3A = arith.constant 0 : i32
    %dma_start3A_13 = arith.constant 0 : i32
    %dma_start3A_14 = tpu.memref_slice %arg8[%dma_start3A, %dma_start3A_13] : memref<2x16384xi32, #tpu.memory_space<vmem>> -> memref<1x16384xi32, #tpu.memory_space<vmem>>
    %dma_start3A_15 = tpu.memref_squeeze %dma_start3A_14 : memref<1x16384xi32, #tpu.memory_space<vmem>> -> memref<16384xi32, #tpu.memory_space<vmem>>
    %dma_start3A_16 = tpu.memref_slice %arg2[%add3A_12] : memref<4194304xi32, #tpu.memory_space<hbm>> -> memref<16384xi32, #tpu.memory_space<hbm>>
    %dma_start3A_17 = arith.constant 0 : i32
    %dma_start3A_18 = tpu.memref_slice %arg8[%dma_start3A, %dma_start3A_17] : memref<2x16384xi32, #tpu.memory_space<vmem>> -> memref<1x16384xi32, #tpu.memory_space<vmem>>
    %dma_start3A_19 = tpu.memref_squeeze %dma_start3A_18 : memref<1x16384xi32, #tpu.memory_space<vmem>> -> memref<16384xi32, #tpu.memory_space<vmem>>
    %dma_start3A_20 = tpu.memref_slice %arg2[%add3A_12] : memref<4194304xi32, #tpu.memory_space<hbm>> -> memref<16384xi32, #tpu.memory_space<hbm>>
    tpu.enqueue_dma source(%dma_start3A_20 : memref<16384xi32, #tpu.memory_space<hbm>>) target(%dma_start3A_19 : memref<16384xi32, #tpu.memory_space<vmem>>) target_semaphore(%arg10 : memref<!tpu.dma_semaphore, #tpu.memory_space<semaphore_mem>>)
    %dma_start3A_21 = arith.constant 0 : i32
    %dma_start3A_22 = arith.constant 0 : i32
    %dma_start3A_23 = tpu.memref_slice %arg9[%dma_start3A_21, %dma_start3A_22] : memref<2x16384xi32, #tpu.memory_space<vmem>> -> memref<1x16384xi32, #tpu.memory_space<vmem>>
    %dma_start3A_24 = tpu.memref_squeeze %dma_start3A_23 : memref<1x16384xi32, #tpu.memory_space<vmem>> -> memref<16384xi32, #tpu.memory_space<vmem>>
    %dma_start3A_25 = tpu.memref_slice %arg3[%add3A_12] : memref<4194304xi32, #tpu.memory_space<hbm>> -> memref<16384xi32, #tpu.memory_space<hbm>>
    %dma_start3A_26 = arith.constant 0 : i32
    %dma_start3A_27 = tpu.memref_slice %arg9[%dma_start3A_21, %dma_start3A_26] : memref<2x16384xi32, #tpu.memory_space<vmem>> -> memref<1x16384xi32, #tpu.memory_space<vmem>>
    %dma_start3A_28 = tpu.memref_squeeze %dma_start3A_27 : memref<1x16384xi32, #tpu.memory_space<vmem>> -> memref<16384xi32, #tpu.memory_space<vmem>>
    %dma_start3A_29 = tpu.memref_slice %arg3[%add3A_12] : memref<4194304xi32, #tpu.memory_space<hbm>> -> memref<16384xi32, #tpu.memory_space<hbm>>
    tpu.enqueue_dma source(%dma_start3A_29 : memref<16384xi32, #tpu.memory_space<hbm>>) target(%dma_start3A_28 : memref<16384xi32, #tpu.memory_space<vmem>>) target_semaphore(%arg10 : memref<!tpu.dma_semaphore, #tpu.memory_space<semaphore_mem>>)
    %add3A_30 = arith.constant 16384 : i32
    %add3A_31 = arith.addi %mul3A_2, %add3A_30 : i32
    %dma_start3A_32 = arith.constant 1 : i32
    %dma_start3A_33 = arith.constant 0 : i32
    %dma_start3A_34 = tpu.memref_slice %arg8[%dma_start3A_32, %dma_start3A_33] : memref<2x16384xi32, #tpu.memory_space<vmem>> -> memref<1x16384xi32, #tpu.memory_space<vmem>>
    %dma_start3A_35 = tpu.memref_squeeze %dma_start3A_34 : memref<1x16384xi32, #tpu.memory_space<vmem>> -> memref<16384xi32, #tpu.memory_space<vmem>>
    %dma_start3A_36 = tpu.memref_slice %arg2[%add3A_31] : memref<4194304xi32, #tpu.memory_space<hbm>> -> memref<16384xi32, #tpu.memory_space<hbm>>
    %dma_start3A_37 = arith.constant 0 : i32
    %dma_start3A_38 = tpu.memref_slice %arg8[%dma_start3A_32, %dma_start3A_37] : memref<2x16384xi32, #tpu.memory_space<vmem>> -> memref<1x16384xi32, #tpu.memory_space<vmem>>
    %dma_start3A_39 = tpu.memref_squeeze %dma_start3A_38 : memref<1x16384xi32, #tpu.memory_space<vmem>> -> memref<16384xi32, #tpu.memory_space<vmem>>
    %dma_start3A_40 = tpu.memref_slice %arg2[%add3A_31] : memref<4194304xi32, #tpu.memory_space<hbm>> -> memref<16384xi32, #tpu.memory_space<hbm>>
    tpu.enqueue_dma source(%dma_start3A_40 : memref<16384xi32, #tpu.memory_space<hbm>>) target(%dma_start3A_39 : memref<16384xi32, #tpu.memory_space<vmem>>) target_semaphore(%arg11 : memref<!tpu.dma_semaphore, #tpu.memory_space<semaphore_mem>>)
    %dma_start3A_41 = arith.constant 1 : i32
    %dma_start3A_42 = arith.constant 0 : i32
    %dma_start3A_43 = tpu.memref_slice %arg9[%dma_start3A_41, %dma_start3A_42] : memref<2x16384xi32, #tpu.memory_space<vmem>> -> memref<1x16384xi32, #tpu.memory_space<vmem>>
    %dma_start3A_44 = tpu.memref_squeeze %dma_start3A_43 : memref<1x16384xi32, #tpu.memory_space<vmem>> -> memref<16384xi32, #tpu.memory_space<vmem>>
    %dma_start3A_45 = tpu.memref_slice %arg3[%add3A_31] : memref<4194304xi32, #tpu.memory_space<hbm>> -> memref<16384xi32, #tpu.memory_space<hbm>>
    %dma_start3A_46 = arith.constant 0 : i32
    %dma_start3A_47 = tpu.memref_slice %arg9[%dma_start3A_41, %dma_start3A_46] : memref<2x16384xi32, #tpu.memory_space<vmem>> -> memref<1x16384xi32, #tpu.memory_space<vmem>>
    %dma_start3A_48 = tpu.memref_squeeze %dma_start3A_47 : memref<1x16384xi32, #tpu.memory_space<vmem>> -> memref<16384xi32, #tpu.memory_space<vmem>>
    %dma_start3A_49 = tpu.memref_slice %arg3[%add3A_31] : memref<4194304xi32, #tpu.memory_space<hbm>> -> memref<16384xi32, #tpu.memory_space<hbm>>
    tpu.enqueue_dma source(%dma_start3A_49 : memref<16384xi32, #tpu.memory_space<hbm>>) target(%dma_start3A_48 : memref<16384xi32, #tpu.memory_space<vmem>>) target_semaphore(%arg11 : memref<!tpu.dma_semaphore, #tpu.memory_space<semaphore_mem>>)
    "tpu.region"() ({
      %run_scoped3A = tpu.sem_alloc : memref<!tpu.dma_semaphore, #tpu.memory_space<semaphore_mem>>
      %dma_start3A_57 = arith.constant 0 : i32
      %dma_start3A_58 = tpu.memref_slice %arg6[%dma_start3A_57] : memref<16xf32, #tpu.memory_space<vmem>> -> memref<10xf32, #tpu.memory_space<vmem>>
      %dma_start3A_59 = arith.constant 0 : i32
      %dma_start3A_60 = tpu.memref_slice %arg6[%dma_start3A_59] : memref<16xf32, #tpu.memory_space<vmem>> -> memref<10xf32, #tpu.memory_space<vmem>>
      tpu.enqueue_dma source(%arg4 : memref<10xf32, #tpu.memory_space<hbm>>) target(%dma_start3A_60 : memref<10xf32, #tpu.memory_space<vmem>>) target_semaphore(%run_scoped3A : memref<!tpu.dma_semaphore, #tpu.memory_space<semaphore_mem>>)
      %dma_wait3A = arith.constant 0 : i32
      %dma_wait3A_61 = tpu.memref_slice %arg6[%dma_wait3A] : memref<16xf32, #tpu.memory_space<vmem>> -> memref<10xf32, #tpu.memory_space<vmem>>
      %dma_wait3A_62 = arith.constant 0 : i32
      %dma_wait3A_63 = tpu.memref_slice %arg6[%dma_wait3A_62] : memref<16xf32, #tpu.memory_space<vmem>> -> memref<10xf32, #tpu.memory_space<vmem>>
      tpu.wait_dma2 semaphore(%run_scoped3A : memref<!tpu.dma_semaphore, #tpu.memory_space<semaphore_mem>>) src(%arg4 : memref<10xf32, #tpu.memory_space<hbm>>) dst(%dma_wait3A_63 : memref<10xf32, #tpu.memory_space<vmem>>)
      tpu.yield
    }) : () -> ()
    %get3A = arith.constant 0 : index
    %get3A_50 = tpu.vector_load %arg6[%get3A] {strides = array<i32>} : memref<16xf32, #tpu.memory_space<vmem>>, vector<16xf32>,
    %parallel_loop3A = arith.constant 0 : i32
    %parallel_loop3A_51 = arith.constant 16384 : i32
    %parallel_loop3A_52 = arith.constant 16 : i32
    scf.for %parallel_loop3A_57 = %parallel_loop3A to %parallel_loop3A_51 step %parallel_loop3A_52  : i32 {
      %parallel_loop3A_58 = arith.index_cast %parallel_loop3A_57 : i32 to index
      %parallel_loop3A_59 = tpu.vector_load %arg7[%parallel_loop3A_58] {strides = array<i32>} : memref<16384xf32, #tpu.memory_space<vmem>>, vector<16xf32>,
      tpu.vector_store %arg7[%parallel_loop3A_58], %broadcast_in_dim3A_3 {strides = array<i32>} : memref<16384xf32, #tpu.memory_space<vmem>>, vector<16xf32>,
    } {sc.loop_unroll_factor = 8 : i64, sc.parallel_access}
    %scan3A = arith.constant 0 : i32
    %scan3A_53 = arith.constant 4 : i32
    %scan3A_54 = arith.addi %scan3A, %scan3A_53 : i32
    %scan3A_55 = arith.constant 1 : i32
    scf.for %scan3A_57 = %scan3A to %scan3A_54 step %scan3A_55  : i32 {
      %mul3A_58 = arith.constant 2 : i32
      %mul3A_59 = arith.muli %scan3A_57, %mul3A_58 : i32
      %add3A_60 = arith.constant 0 : i32
      %add3A_61 = arith.addi %mul3A_59, %add3A_60 : i32
      %mul3A_62 = arith.constant 16384 : i32
      %mul3A_63 = arith.muli %add3A_61, %mul3A_62 : i32
      %add3A_64 = arith.addi %mul3A_2, %mul3A_63 : i32
      %dma_wait3A = arith.constant 0 : i32
      %dma_wait3A_65 = arith.constant 0 : i32
      %dma_wait3A_66 = tpu.memref_slice %arg8[%dma_wait3A, %dma_wait3A_65] : memref<2x16384xi32, #tpu.memory_space<vmem>> -> memref<1x16384xi32, #tpu.memory_space<vmem>>
      %dma_wait3A_67 = tpu.memref_squeeze %dma_wait3A_66 : memref<1x16384xi32, #tpu.memory_space<vmem>> -> memref<16384xi32, #tpu.memory_space<vmem>>
      %dma_wait3A_68 = tpu.memref_slice %arg2[%add3A_64] : memref<4194304xi32, #tpu.memory_space<hbm>> -> memref<16384xi32, #tpu.memory_space<hbm>>
      %dma_wait3A_69 = arith.constant 0 : i32
      %dma_wait3A_70 = tpu.memref_slice %arg8[%dma_wait3A, %dma_wait3A_69] : memref<2x16384xi32, #tpu.memory_space<vmem>> -> memref<1x16384xi32, #tpu.memory_space<vmem>>
      %dma_wait3A_71 = tpu.memref_squeeze %dma_wait3A_70 : memref<1x16384xi32, #tpu.memory_space<vmem>> -> memref<16384xi32, #tpu.memory_space<vmem>>
      %dma_wait3A_72 = tpu.memref_slice %arg2[%add3A_64] : memref<4194304xi32, #tpu.memory_space<hbm>> -> memref<16384xi32, #tpu.memory_space<hbm>>
      tpu.wait_dma2 semaphore(%arg10 : memref<!tpu.dma_semaphore, #tpu.memory_space<semaphore_mem>>) src(%dma_wait3A_72 : memref<16384xi32, #tpu.memory_space<hbm>>) dst(%dma_wait3A_71 : memref<16384xi32, #tpu.memory_space<vmem>>)
      %dma_wait3A_73 = arith.constant 0 : i32
      %dma_wait3A_74 = arith.constant 0 : i32
      %dma_wait3A_75 = tpu.memref_slice %arg9[%dma_wait3A_73, %dma_wait3A_74] : memref<2x16384xi32, #tpu.memory_space<vmem>> -> memref<1x16384xi32, #tpu.memory_space<vmem>>
      %dma_wait3A_76 = tpu.memref_squeeze %dma_wait3A_75 : memref<1x16384xi32, #tpu.memory_space<vmem>> -> memref<16384xi32, #tpu.memory_space<vmem>>
      %dma_wait3A_77 = tpu.memref_slice %arg3[%add3A_64] : memref<4194304xi32, #tpu.memory_space<hbm>> -> memref<16384xi32, #tpu.memory_space<hbm>>
      %dma_wait3A_78 = arith.constant 0 : i32
      %dma_wait3A_79 = tpu.memref_slice %arg9[%dma_wait3A_73, %dma_wait3A_78] : memref<2x16384xi32, #tpu.memory_space<vmem>> -> memref<1x16384xi32, #tpu.memory_space<vmem>>
      %dma_wait3A_80 = tpu.memref_squeeze %dma_wait3A_79 : memref<1x16384xi32, #tpu.memory_space<vmem>> -> memref<16384xi32, #tpu.memory_space<vmem>>
      %dma_wait3A_81 = tpu.memref_slice %arg3[%add3A_64] : memref<4194304xi32, #tpu.memory_space<hbm>> -> memref<16384xi32, #tpu.memory_space<hbm>>
      tpu.wait_dma2 semaphore(%arg10 : memref<!tpu.dma_semaphore, #tpu.memory_space<semaphore_mem>>) src(%dma_wait3A_81 : memref<16384xi32, #tpu.memory_space<hbm>>) dst(%dma_wait3A_80 : memref<16384xi32, #tpu.memory_space<vmem>>)
      %parallel_loop3A_82 = arith.constant 0 : i32
      %parallel_loop3A_83 = arith.constant 16384 : i32
      %parallel_loop3A_84 = arith.constant 16 : i32
      scf.for %parallel_loop3A_122 = %parallel_loop3A_82 to %parallel_loop3A_83 step %parallel_loop3A_84  : i32 {
        %parallel_loop3A_123 = arith.constant 0 : i32
        %parallel_loop3A_124 = arith.index_cast %parallel_loop3A_123 : i32 to index
        %parallel_loop3A_125 = arith.index_cast %parallel_loop3A_122 : i32 to index
        %parallel_loop3A_126 = tpu.vector_load %arg8[%parallel_loop3A_124, %parallel_loop3A_125] {strides = array<i32>} : memref<2x16384xi32, #tpu.memory_space<vmem>>, vector<16xi32>,
        %parallel_loop3A_127 = arith.constant 0 : i32
        %parallel_loop3A_128 = arith.index_cast %parallel_loop3A_127 : i32 to index
        %parallel_loop3A_129 = arith.index_cast %parallel_loop3A_122 : i32 to index
        %parallel_loop3A_130 = tpu.vector_load %arg9[%parallel_loop3A_128, %parallel_loop3A_129] {strides = array<i32>} : memref<2x16384xi32, #tpu.memory_space<vmem>>, vector<16xi32>,
        %parallel_loop3A_131 = arith.constant 0 : i32
        %parallel_loop3A_132 = vector.broadcast %parallel_loop3A_131 : i32 to vector<16xi32>
        %parallel_loop3A_133 = arith.cmpi slt, %min3A_10, %parallel_loop3A_132 : vector<16xi32>
        %parallel_loop3A_134 = arith.constant 16 : i32
        %parallel_loop3A_135 = vector.broadcast %parallel_loop3A_134 : i32 to vector<16xi32>
        %parallel_loop3A_136 = arith.addi %min3A_10, %parallel_loop3A_135 : vector<16xi32>
        %parallel_loop3A_137 = arith.select %parallel_loop3A_133, %parallel_loop3A_136, %min3A_10 : vector<16xi1>, vector<16xi32>
        %parallel_loop3A_138 = vector.shape_cast %parallel_loop3A_137 : vector<16xi32> to vector<16x1xi32>
        %parallel_loop3A_139 = vector.shape_cast %parallel_loop3A_138 : vector<16x1xi32> to vector<16xi32>
        %parallel_loop3A_140 = tpu.dynamic_gather %parallel_loop3A_130[%parallel_loop3A_139] in [0] : vector<16xi32>, vector<16xi32> -> vector<16xi32>
        %parallel_loop3A_141 = arith.constant 0 : i32
        %parallel_loop3A_142 = vector.broadcast %parallel_loop3A_141 : i32 to vector<16xi32>
        %parallel_loop3A_143 = arith.cmpi slt, %parallel_loop3A_126, %parallel_loop3A_142 : vector<16xi32>
        %parallel_loop3A_144 = arith.constant 16 : i32
        %parallel_loop3A_145 = vector.broadcast %parallel_loop3A_144 : i32 to vector<16xi32>
        %parallel_loop3A_146 = arith.addi %parallel_loop3A_126, %parallel_loop3A_145 : vector<16xi32>
        %parallel_loop3A_147 = arith.select %parallel_loop3A_143, %parallel_loop3A_146, %parallel_loop3A_126 : vector<16xi1>, vector<16xi32>
        %parallel_loop3A_148 = vector.shape_cast %parallel_loop3A_147 : vector<16xi32> to vector<16x1xi32>
        %parallel_loop3A_149 = vector.shape_cast %parallel_loop3A_148 : vector<16x1xi32> to vector<16xi32>
        %parallel_loop3A_150 = tpu.dynamic_gather %get3A_50[%parallel_loop3A_149] in [0] : vector<16xf32>, vector<16xi32> -> vector<16xf32>
        %parallel_loop3A_151 = arith.constant true
        %parallel_loop3A_152 = vector.broadcast %parallel_loop3A_151 : i1 to vector<16xi1>
        %parallel_loop3A_153 = tpu.scan <sum>, %parallel_loop3A_150 masked %parallel_loop3A_152 : vector<16xf32>, vector<16xi1> -> vector<16xf32>
        %parallel_loop3A_154 = arith.cmpi ne, %parallel_loop3A_130, %parallel_loop3A_140 : vector<16xi32>
        %parallel_loop3A_155 = arith.ori %parallel_loop3A_154, %eq3A_5 : vector<16xi1>
        tpu.vector_store_idx %arg7[%parallel_loop3A_130], %parallel_loop3A_153 masked %parallel_loop3A_155 {add = true} : memref<16384xf32, #tpu.memory_space<vmem>>[vector<16xi32>], vector<16xf32>, vector<16xi1>
        %parallel_loop3A_156 = arith.constant 0.000000e+00 : f32
        %parallel_loop3A_157 = vector.broadcast %parallel_loop3A_156 : f32 to vector<16xf32>
        %parallel_loop3A_158 = arith.subf %parallel_loop3A_157, %parallel_loop3A_153 : vector<16xf32>
        tpu.vector_store_idx %arg7[%parallel_loop3A_140], %parallel_loop3A_158 masked %parallel_loop3A_154 {add = true} : memref<16384xf32, #tpu.memory_space<vmem>>[vector<16xi32>], vector<16xf32>, vector<16xi1>
      } {sc.loop_unroll_factor = 8 : i64, sc.parallel_access}
      %add3A_85 = arith.constant 2 : i32
      %add3A_86 = arith.addi %add3A_61, %add3A_85 : i32
      %lt3A = arith.constant 8 : i32
      %lt3A_87 = arith.cmpi slt, %add3A_86, %lt3A : i32
      %convert_element_type3A = arith.extui %lt3A_87 : i1 to i32
      %cond3A = arith.constant 0 : i32
      %cond3A_88 = arith.cmpi ne, %convert_element_type3A, %cond3A : i32
      scf.if %cond3A_88 {
        %add3A_122 = arith.constant 2 : i32
        %add3A_123 = arith.addi %add3A_61, %add3A_122 : i32
        %mul3A_124 = arith.constant 16384 : i32
        %mul3A_125 = arith.muli %add3A_123, %mul3A_124 : i32
        %add3A_126 = arith.addi %mul3A_2, %mul3A_125 : i32
        %dma_start3A_127 = arith.constant 0 : i32
        %dma_start3A_128 = arith.constant 0 : i32
        %dma_start3A_129 = tpu.memref_slice %arg8[%dma_start3A_127, %dma_start3A_128] : memref<2x16384xi32, #tpu.memory_space<vmem>> -> memref<1x16384xi32, #tpu.memory_space<vmem>>
        %dma_start3A_130 = tpu.memref_squeeze %dma_start3A_129 : memref<1x16384xi32, #tpu.memory_space<vmem>> -> memref<16384xi32, #tpu.memory_space<vmem>>
        %dma_start3A_131 = tpu.memref_slice %arg2[%add3A_126] : memref<4194304xi32, #tpu.memory_space<hbm>> -> memref<16384xi32, #tpu.memory_space<hbm>>
        %dma_start3A_132 = arith.constant 0 : i32
        %dma_start3A_133 = tpu.memref_slice %arg8[%dma_start3A_127, %dma_start3A_132] : memref<2x16384xi32, #tpu.memory_space<vmem>> -> memref<1x16384xi32, #tpu.memory_space<vmem>>
        %dma_start3A_134 = tpu.memref_squeeze %dma_start3A_133 : memref<1x16384xi32, #tpu.memory_space<vmem>> -> memref<16384xi32, #tpu.memory_space<vmem>>
        %dma_start3A_135 = tpu.memref_slice %arg2[%add3A_126] : memref<4194304xi32, #tpu.memory_space<hbm>> -> memref<16384xi32, #tpu.memory_space<hbm>>
        tpu.enqueue_dma source(%dma_start3A_135 : memref<16384xi32, #tpu.memory_space<hbm>>) target(%dma_start3A_134 : memref<16384xi32, #tpu.memory_space<vmem>>) target_semaphore(%arg10 : memref<!tpu.dma_semaphore, #tpu.memory_space<semaphore_mem>>)
        %dma_start3A_136 = arith.constant 0 : i32
        %dma_start3A_137 = arith.constant 0 : i32
        %dma_start3A_138 = tpu.memref_slice %arg9[%dma_start3A_136, %dma_start3A_137] : memref<2x16384xi32, #tpu.memory_space<vmem>> -> memref<1x16384xi32, #tpu.memory_space<vmem>>
        %dma_start3A_139 = tpu.memref_squeeze %dma_start3A_138 : memref<1x16384xi32, #tpu.memory_space<vmem>> -> memref<16384xi32, #tpu.memory_space<vmem>>
        %dma_start3A_140 = tpu.memref_slice %arg3[%add3A_126] : memref<4194304xi32, #tpu.memory_space<hbm>> -> memref<16384xi32, #tpu.memory_space<hbm>>
        %dma_start3A_141 = arith.constant 0 : i32
        %dma_start3A_142 = tpu.memref_slice %arg9[%dma_start3A_136, %dma_start3A_141] : memref<2x16384xi32, #tpu.memory_space<vmem>> -> memref<1x16384xi32, #tpu.memory_space<vmem>>
        %dma_start3A_143 = tpu.memref_squeeze %dma_start3A_142 : memref<1x16384xi32, #tpu.memory_space<vmem>> -> memref<16384xi32, #tpu.memory_space<vmem>>
        %dma_start3A_144 = tpu.memref_slice %arg3[%add3A_126] : memref<4194304xi32, #tpu.memory_space<hbm>> -> memref<16384xi32, #tpu.memory_space<hbm>>
        tpu.enqueue_dma source(%dma_start3A_144 : memref<16384xi32, #tpu.memory_space<hbm>>) target(%dma_start3A_143 : memref<16384xi32, #tpu.memory_space<vmem>>) target_semaphore(%arg10 : memref<!tpu.dma_semaphore, #tpu.memory_space<semaphore_mem>>)
      } else {
      }
      %add3A_89 = arith.constant 1 : i32
      %add3A_90 = arith.addi %mul3A_59, %add3A_89 : i32
      %mul3A_91 = arith.constant 16384 : i32
      %mul3A_92 = arith.muli %add3A_90, %mul3A_91 : i32
      %add3A_93 = arith.addi %mul3A_2, %mul3A_92 : i32
      %dma_wait3A_94 = arith.constant 1 : i32
      %dma_wait3A_95 = arith.constant 0 : i32
      %dma_wait3A_96 = tpu.memref_slice %arg8[%dma_wait3A_94, %dma_wait3A_95] : memref<2x16384xi32, #tpu.memory_space<vmem>> -> memref<1x16384xi32, #tpu.memory_space<vmem>>
      %dma_wait3A_97 = tpu.memref_squeeze %dma_wait3A_96 : memref<1x16384xi32, #tpu.memory_space<vmem>> -> memref<16384xi32, #tpu.memory_space<vmem>>
      %dma_wait3A_98 = tpu.memref_slice %arg2[%add3A_93] : memref<4194304xi32, #tpu.memory_space<hbm>> -> memref<16384xi32, #tpu.memory_space<hbm>>
      %dma_wait3A_99 = arith.constant 0 : i32
      %dma_wait3A_100 = tpu.memref_slice %arg8[%dma_wait3A_94, %dma_wait3A_99] : memref<2x16384xi32, #tpu.memory_space<vmem>> -> memref<1x16384xi32, #tpu.memory_space<vmem>>
      %dma_wait3A_101 = tpu.memref_squeeze %dma_wait3A_100 : memref<1x16384xi32, #tpu.memory_space<vmem>> -> memref<16384xi32, #tpu.memory_space<vmem>>
      %dma_wait3A_102 = tpu.memref_slice %arg2[%add3A_93] : memref<4194304xi32, #tpu.memory_space<hbm>> -> memref<16384xi32, #tpu.memory_space<hbm>>
      tpu.wait_dma2 semaphore(%arg11 : memref<!tpu.dma_semaphore, #tpu.memory_space<semaphore_mem>>) src(%dma_wait3A_102 : memref<16384xi32, #tpu.memory_space<hbm>>) dst(%dma_wait3A_101 : memref<16384xi32, #tpu.memory_space<vmem>>)
      %dma_wait3A_103 = arith.constant 1 : i32
      %dma_wait3A_104 = arith.constant 0 : i32
      %dma_wait3A_105 = tpu.memref_slice %arg9[%dma_wait3A_103, %dma_wait3A_104] : memref<2x16384xi32, #tpu.memory_space<vmem>> -> memref<1x16384xi32, #tpu.memory_space<vmem>>
      %dma_wait3A_106 = tpu.memref_squeeze %dma_wait3A_105 : memref<1x16384xi32, #tpu.memory_space<vmem>> -> memref<16384xi32, #tpu.memory_space<vmem>>
      %dma_wait3A_107 = tpu.memref_slice %arg3[%add3A_93] : memref<4194304xi32, #tpu.memory_space<hbm>> -> memref<16384xi32, #tpu.memory_space<hbm>>
      %dma_wait3A_108 = arith.constant 0 : i32
      %dma_wait3A_109 = tpu.memref_slice %arg9[%dma_wait3A_103, %dma_wait3A_108] : memref<2x16384xi32, #tpu.memory_space<vmem>> -> memref<1x16384xi32, #tpu.memory_space<vmem>>
      %dma_wait3A_110 = tpu.memref_squeeze %dma_wait3A_109 : memref<1x16384xi32, #tpu.memory_space<vmem>> -> memref<16384xi32, #tpu.memory_space<vmem>>
      %dma_wait3A_111 = tpu.memref_slice %arg3[%add3A_93] : memref<4194304xi32, #tpu.memory_space<hbm>> -> memref<16384xi32, #tpu.memory_space<hbm>>
      tpu.wait_dma2 semaphore(%arg11 : memref<!tpu.dma_semaphore, #tpu.memory_space<semaphore_mem>>) src(%dma_wait3A_111 : memref<16384xi32, #tpu.memory_space<hbm>>) dst(%dma_wait3A_110 : memref<16384xi32, #tpu.memory_space<vmem>>)
      %parallel_loop3A_112 = arith.constant 0 : i32
      %parallel_loop3A_113 = arith.constant 16384 : i32
      %parallel_loop3A_114 = arith.constant 16 : i32
      scf.for %parallel_loop3A_122 = %parallel_loop3A_112 to %parallel_loop3A_113 step %parallel_loop3A_114  : i32 {
        %parallel_loop3A_123 = arith.constant 1 : i32
        %parallel_loop3A_124 = arith.index_cast %parallel_loop3A_123 : i32 to index
        %parallel_loop3A_125 = arith.index_cast %parallel_loop3A_122 : i32 to index
        %parallel_loop3A_126 = tpu.vector_load %arg8[%parallel_loop3A_124, %parallel_loop3A_125] {strides = array<i32>} : memref<2x16384xi32, #tpu.memory_space<vmem>>, vector<16xi32>,
        %parallel_loop3A_127 = arith.constant 1 : i32
        %parallel_loop3A_128 = arith.index_cast %parallel_loop3A_127 : i32 to index
        %parallel_loop3A_129 = arith.index_cast %parallel_loop3A_122 : i32 to index
        %parallel_loop3A_130 = tpu.vector_load %arg9[%parallel_loop3A_128, %parallel_loop3A_129] {strides = array<i32>} : memref<2x16384xi32, #tpu.memory_space<vmem>>, vector<16xi32>,
        %parallel_loop3A_131 = arith.constant 0 : i32
        %parallel_loop3A_132 = vector.broadcast %parallel_loop3A_131 : i32 to vector<16xi32>
        %parallel_loop3A_133 = arith.cmpi slt, %min3A_10, %parallel_loop3A_132 : vector<16xi32>
        %parallel_loop3A_134 = arith.constant 16 : i32
        %parallel_loop3A_135 = vector.broadcast %parallel_loop3A_134 : i32 to vector<16xi32>
        %parallel_loop3A_136 = arith.addi %min3A_10, %parallel_loop3A_135 : vector<16xi32>
        %parallel_loop3A_137 = arith.select %parallel_loop3A_133, %parallel_loop3A_136, %min3A_10 : vector<16xi1>, vector<16xi32>
        %parallel_loop3A_138 = vector.shape_cast %parallel_loop3A_137 : vector<16xi32> to vector<16x1xi32>
        %parallel_loop3A_139 = vector.shape_cast %parallel_loop3A_138 : vector<16x1xi32> to vector<16xi32>
        %parallel_loop3A_140 = tpu.dynamic_gather %parallel_loop3A_130[%parallel_loop3A_139] in [0] : vector<16xi32>, vector<16xi32> -> vector<16xi32>
        %parallel_loop3A_141 = arith.constant 0 : i32
        %parallel_loop3A_142 = vector.broadcast %parallel_loop3A_141 : i32 to vector<16xi32>
        %parallel_loop3A_143 = arith.cmpi slt, %parallel_loop3A_126, %parallel_loop3A_142 : vector<16xi32>
        %parallel_loop3A_144 = arith.constant 16 : i32
        %parallel_loop3A_145 = vector.broadcast %parallel_loop3A_144 : i32 to vector<16xi32>
        %parallel_loop3A_146 = arith.addi %parallel_loop3A_126, %parallel_loop3A_145 : vector<16xi32>
        %parallel_loop3A_147 = arith.select %parallel_loop3A_143, %parallel_loop3A_146, %parallel_loop3A_126 : vector<16xi1>, vector<16xi32>
        %parallel_loop3A_148 = vector.shape_cast %parallel_loop3A_147 : vector<16xi32> to vector<16x1xi32>
        %parallel_loop3A_149 = vector.shape_cast %parallel_loop3A_148 : vector<16x1xi32> to vector<16xi32>
        %parallel_loop3A_150 = tpu.dynamic_gather %get3A_50[%parallel_loop3A_149] in [0] : vector<16xf32>, vector<16xi32> -> vector<16xf32>
        %parallel_loop3A_151 = arith.constant true
        %parallel_loop3A_152 = vector.broadcast %parallel_loop3A_151 : i1 to vector<16xi1>
        %parallel_loop3A_153 = tpu.scan <sum>, %parallel_loop3A_150 masked %parallel_loop3A_152 : vector<16xf32>, vector<16xi1> -> vector<16xf32>
        %parallel_loop3A_154 = arith.cmpi ne, %parallel_loop3A_130, %parallel_loop3A_140 : vector<16xi32>
        %parallel_loop3A_155 = arith.ori %parallel_loop3A_154, %eq3A_5 : vector<16xi1>
        tpu.vector_store_idx %arg7[%parallel_loop3A_130], %parallel_loop3A_153 masked %parallel_loop3A_155 {add = true} : memref<16384xf32, #tpu.memory_space<vmem>>[vector<16xi32>], vector<16xf32>, vector<16xi1>
        %parallel_loop3A_156 = arith.constant 0.000000e+00 : f32
        %parallel_loop3A_157 = vector.broadcast %parallel_loop3A_156 : f32 to vector<16xf32>
        %parallel_loop3A_158 = arith.subf %parallel_loop3A_157, %parallel_loop3A_153 : vector<16xf32>
        tpu.vector_store_idx %arg7[%parallel_loop3A_140], %parallel_loop3A_158 masked %parallel_loop3A_154 {add = true} : memref<16384xf32, #tpu.memory_space<vmem>>[vector<16xi32>], vector<16xf32>, vector<16xi1>
      } {sc.loop_unroll_factor = 8 : i64, sc.parallel_access}
      %add3A_115 = arith.constant 2 : i32
      %add3A_116 = arith.addi %add3A_90, %add3A_115 : i32
      %lt3A_117 = arith.constant 8 : i32
      %lt3A_118 = arith.cmpi slt, %add3A_116, %lt3A_117 : i32
      %convert_element_type3A_119 = arith.extui %lt3A_118 : i1 to i32
      %cond3A_120 = arith.constant 0 : i32
      %cond3A_121 = arith.cmpi ne, %convert_element_type3A_119, %cond3A_120 : i32
      scf.if %cond3A_121 {
        %add3A_122 = arith.constant 2 : i32
        %add3A_123 = arith.addi %add3A_90, %add3A_122 : i32
        %mul3A_124 = arith.constant 16384 : i32
        %mul3A_125 = arith.muli %add3A_123, %mul3A_124 : i32
        %add3A_126 = arith.addi %mul3A_2, %mul3A_125 : i32
        %dma_start3A_127 = arith.constant 1 : i32
        %dma_start3A_128 = arith.constant 0 : i32
        %dma_start3A_129 = tpu.memref_slice %arg8[%dma_start3A_127, %dma_start3A_128] : memref<2x16384xi32, #tpu.memory_space<vmem>> -> memref<1x16384xi32, #tpu.memory_space<vmem>>
        %dma_start3A_130 = tpu.memref_squeeze %dma_start3A_129 : memref<1x16384xi32, #tpu.memory_space<vmem>> -> memref<16384xi32, #tpu.memory_space<vmem>>
        %dma_start3A_131 = tpu.memref_slice %arg2[%add3A_126] : memref<4194304xi32, #tpu.memory_space<hbm>> -> memref<16384xi32, #tpu.memory_space<hbm>>
        %dma_start3A_132 = arith.constant 0 : i32
        %dma_start3A_133 = tpu.memref_slice %arg8[%dma_start3A_127, %dma_start3A_132] : memref<2x16384xi32, #tpu.memory_space<vmem>> -> memref<1x16384xi32, #tpu.memory_space<vmem>>
        %dma_start3A_134 = tpu.memref_squeeze %dma_start3A_133 : memref<1x16384xi32, #tpu.memory_space<vmem>> -> memref<16384xi32, #tpu.memory_space<vmem>>
        %dma_start3A_135 = tpu.memref_slice %arg2[%add3A_126] : memref<4194304xi32, #tpu.memory_space<hbm>> -> memref<16384xi32, #tpu.memory_space<hbm>>
        tpu.enqueue_dma source(%dma_start3A_135 : memref<16384xi32, #tpu.memory_space<hbm>>) target(%dma_start3A_134 : memref<16384xi32, #tpu.memory_space<vmem>>) target_semaphore(%arg11 : memref<!tpu.dma_semaphore, #tpu.memory_space<semaphore_mem>>)
        %dma_start3A_136 = arith.constant 1 : i32
        %dma_start3A_137 = arith.constant 0 : i32
        %dma_start3A_138 = tpu.memref_slice %arg9[%dma_start3A_136, %dma_start3A_137] : memref<2x16384xi32, #tpu.memory_space<vmem>> -> memref<1x16384xi32, #tpu.memory_space<vmem>>
        %dma_start3A_139 = tpu.memref_squeeze %dma_start3A_138 : memref<1x16384xi32, #tpu.memory_space<vmem>> -> memref<16384xi32, #tpu.memory_space<vmem>>
        %dma_start3A_140 = tpu.memref_slice %arg3[%add3A_126] : memref<4194304xi32, #tpu.memory_space<hbm>> -> memref<16384xi32, #tpu.memory_space<hbm>>
        %dma_start3A_141 = arith.constant 0 : i32
        %dma_start3A_142 = tpu.memref_slice %arg9[%dma_start3A_136, %dma_start3A_141] : memref<2x16384xi32, #tpu.memory_space<vmem>> -> memref<1x16384xi32, #tpu.memory_space<vmem>>
        %dma_start3A_143 = tpu.memref_squeeze %dma_start3A_142 : memref<1x16384xi32, #tpu.memory_space<vmem>> -> memref<16384xi32, #tpu.memory_space<vmem>>
        %dma_start3A_144 = tpu.memref_slice %arg3[%add3A_126] : memref<4194304xi32, #tpu.memory_space<hbm>> -> memref<16384xi32, #tpu.memory_space<hbm>>
        tpu.enqueue_dma source(%dma_start3A_144 : memref<16384xi32, #tpu.memory_space<hbm>>) target(%dma_start3A_143 : memref<16384xi32, #tpu.memory_space<vmem>>) target_semaphore(%arg11 : memref<!tpu.dma_semaphore, #tpu.memory_space<semaphore_mem>>)
      } else {
      }
    }
    %scan3A_56 = arith.constant 4 : i32
    "tpu.region"() ({
      %run_scoped3A = tpu.sem_alloc : memref<!tpu.dma_semaphore, #tpu.memory_space<semaphore_mem>>
      %dma_start3A_57 = arith.constant 0 : i32
      %dma_start3A_58 = tpu.memref_slice %arg5[%add3A, %dma_start3A_57] : memref<32x16384xf32, #tpu.memory_space<hbm>> -> memref<1x16384xf32, #tpu.memory_space<hbm>>
      %dma_start3A_59 = tpu.memref_squeeze %dma_start3A_58 : memref<1x16384xf32, #tpu.memory_space<hbm>> -> memref<16384xf32, #tpu.memory_space<hbm>>
      %dma_start3A_60 = arith.constant 0 : i32
      %dma_start3A_61 = tpu.memref_slice %arg5[%add3A, %dma_start3A_60] : memref<32x16384xf32, #tpu.memory_space<hbm>> -> memref<1x16384xf32, #tpu.memory_space<hbm>>
      %dma_start3A_62 = tpu.memref_squeeze %dma_start3A_61 : memref<1x16384xf32, #tpu.memory_space<hbm>> -> memref<16384xf32, #tpu.memory_space<hbm>>
      tpu.enqueue_dma source(%arg7 : memref<16384xf32, #tpu.memory_space<vmem>>) target(%dma_start3A_62 : memref<16384xf32, #tpu.memory_space<hbm>>) target_semaphore(%run_scoped3A : memref<!tpu.dma_semaphore, #tpu.memory_space<semaphore_mem>>)
      %dma_wait3A = arith.constant 0 : i32
      %dma_wait3A_63 = tpu.memref_slice %arg5[%add3A, %dma_wait3A] : memref<32x16384xf32, #tpu.memory_space<hbm>> -> memref<1x16384xf32, #tpu.memory_space<hbm>>
      %dma_wait3A_64 = tpu.memref_squeeze %dma_wait3A_63 : memref<1x16384xf32, #tpu.memory_space<hbm>> -> memref<16384xf32, #tpu.memory_space<hbm>>
      %dma_wait3A_65 = arith.constant 0 : i32
      %dma_wait3A_66 = tpu.memref_slice %arg5[%add3A, %dma_wait3A_65] : memref<32x16384xf32, #tpu.memory_space<hbm>> -> memref<1x16384xf32, #tpu.memory_space<hbm>>
      %dma_wait3A_67 = tpu.memref_squeeze %dma_wait3A_66 : memref<1x16384xf32, #tpu.memory_space<hbm>> -> memref<16384xf32, #tpu.memory_space<hbm>>
      tpu.wait_dma2 semaphore(%run_scoped3A : memref<!tpu.dma_semaphore, #tpu.memory_space<semaphore_mem>>) src(%arg7 : memref<16384xf32, #tpu.memory_space<vmem>>) dst(%dma_wait3A_67 : memref<16384xf32, #tpu.memory_space<hbm>>)
      tpu.yield
    }) : () -> ()
    return
  }
}

module attributes {stable_mosaic.version = 14 : i64} {
  func.func @_reduce_body(%arg0: memref<32x16384xf32, #tpu.memory_space<vmem>>, %arg1: memref<1x16384xf32, #tpu.memory_space<vmem>>) attributes {dimension_semantics = [], scalar_prefetch = 0 : i64, scratch_operands = 0 : i64, tpu.core_type = #tpu.core_type<tc>} {
    %get3A = arith.constant 0 : index
    %get3A_0 = arith.constant 0 : index
    %get3A_1 = vector.load %arg0[%get3A, %get3A_0] : memref<32x16384xf32, #tpu.memory_space<vmem>>, vector<32x16384xf32>
    %reduce_sum3A = arith.constant dense<0.000000e+00> : vector<16384xf32>
    %reduce_sum3A_2 = vector.multi_reduction <add>, %get3A_1, %reduce_sum3A [0] : vector<32x16384xf32> to vector<16384xf32>
    %broadcast_in_dim3A = vector.shape_cast %reduce_sum3A_2 : vector<16384xf32> to vector<1x16384xf32>
    %swap3A = arith.constant 0 : index
    %swap3A_3 = arith.constant 0 : index
    %swap3A_4 = vector.load %arg1[%swap3A, %swap3A_3] : memref<1x16384xf32, #tpu.memory_space<vmem>>, vector<1x16384xf32>
    tpu.vector_store %arg1[%swap3A, %swap3A_3], %broadcast_in_dim3A {strides = array<i32>} : memref<1x16384xf32, #tpu.memory_space<vmem>>, vector<1x16384xf32>,
    return
  }
}

</mosaic_0001>

<sc_bundles>
// kernel: kernel.4.cloned.1.call-start
scs
__scs_entry_jumppad:
0x0: {  	(pc) =	sbr.rel $0x88, $3  }
0x1: {  	(tag) =	ssettag $0x0;
	lr =	simm.s32 $0x1  }
0x2: {  	[smem:$0x3F9E] =	sst lr;
	_ =	strace $0xD0000000  }
0x3: {  	_ = 	snop  }
0x4: {  	_ = 	snop  }
0x5: {  	_ = 	snop  }
0x6: {  	_ = 	snop  }
0x7: {  	_ = 	snop  }
__scs_overlays_trampoline_lowered:
0x8: {  	[smem:$0x3FAD] =	sst s0  }
0x9: {  	[smem:$0x3FAE] =	sst s1  }
0xa: {  	[smem:$0x3FAF] =	sst s2  }
0xb: {  	[smem:$0x3FB0] =	sst s3  }
0xc: {  	[smem:$0x3FB1] =	sst s4  }
0xd: {  	[smem:$0x3FB2] =	sst s5  }
0xe: {  	[smem:$0x3FB3] =	sst s6  }
0xf: {  	[smem:$0x3FB4] =	sst s7  }
0x10: {  	[smem:$0x3FB5] =	sst s8  }
0x11: {  	[smem:$0x3FB6] =	sst s9;
	s0 =	simm.s32 @!p0 $0x0  }
0x12: {  	s1 =	sld [smem:$0x3F9C];
	s0 =	simm.s32 @p0 $0x1  }
0x13: {  	[smem:$0x3FB7] =	sst s0;
	s0 =	simm.s32 @!p1 $0x0  }
0x14: {  	s2 =	sld [smem:$0x3F9B];
	s0 =	simm.s32 @p1 $0x1  }
0x15: {  	[smem:$0x3FB8] =	sst s0;
	s0 =	simm.s32 @!p2 $0x0  }
0x16: {  	s3 =	sld [smem:$0x3FDB];
	s0 =	simm.s32 @p2 $0x1  }
0x17: {  	s4 =	simm.s32 $0x1BF5;
	[smem:$0x3FBA] =	sst s0  }
0x18: {  	s0 =	sld [smem:$0x3F9D];
	_ =	swait.ge [sflag:s4], $0x0  }
0x19: {  	s7 =	sld [smem:$0x3F9E]  }
0x1a: {  	s8 =	sadd.s32 $0xFFFFE003, lr  }
0x1b: {  	s9 =	sadd.s32 $0xFFFFFEF7, lr;
	s5 =	simm.s32 $0xFFFFFFFF;
	p2 =	slt.u32 s8, $0xFFFFF086  }
0x1c: {  	p1 =	slt.u32 s9, $0xF7A;
	s5 =	simm.s32 @!p2 $0x0  }
0x1d: {  	s5 =	simm.s32 @p1 $0x1;
	p0 =	seq.s32 s7, s2  }
0x1e: {  	s7 =	smul.u32 @!p0 $0xF7A, s2;
	p2 =	seq.s32 @!p0 s5, $0x0  }
0x1f: {  	s9 =	smul.u32 $0xF7A, s1;
	s8 =	simm.s32 @!p0 $0x1BF5;
	p2 =	por !p2, p0  }
0x20: {  	[sflag:s8] =	ssyncset.s32 @!p0 $0xFFFFF086;
	s6 =	sadd.s32 @!p0 s3, s7;
	s7 =	simm.s32 @!p0 $0x108  }
0x21: {  	s3 =	sadd.s32 s3, s9;
	s6 =	sadd.s32 @!p0 $0x88, s6;
	s7 =	simm.s32 @p2 $0x1082  }
0x22: {  	[simem:s7], [sflag:s8] =	dma.local @!p0 [hbm:s6], $0xF7A  }
0x23: {  	s9 =	sor.u32 $0xD0000000, s2;
	s6 =	simm.s32 $0x108;
	_ =	swait.ge @!p0 [sflag:s8], $0x0  }
0x24: {  	s3 =	sadd.s32 $0x88, s3;
	s6 =	simm.s32 @!p1 $0x1082;
	[sflag:s4] =	ssyncset.s32 $0xFFFFF086  }
0x25: {  	[simem:s6], [sflag:s4] =	dma.local [hbm:s3], $0xF7A  }
0x26: {  	[smem:$0x3F9E] =	sst s1;
	(tag) =	ssettag s2;
	_ =	strace s9  }
0x27: {  	s1 =	sld [smem:$0x3FAE]  }
0x28: {  	s2 =	sld [smem:$0x3FAF]  }
0x29: {  	s4 =	sld [smem:$0x3FB1]  }
0x2a: {  	p0 =	seq.s32 s5, $0x0;
	s5 =	sld [smem:$0x3FB2]  }
0x2b: {  	s6 =	sld [smem:$0x3FB3]  }
0x2c: {  	s7 =	sld [smem:$0x3FB4]  }
0x2d: {  	s3 =	simm.s32 $0x108;
	s8 =	sld [smem:$0x3FB5]  }
0x2e: {  	s3 =	simm.s32 @!p0 $0x1082;
	s9 =	sld [smem:$0x3FB6]  }
0x2f: {  	lr =	sadd.s32 s0, s3;
	s0 =	sld [smem:$0x3FAD]  }
0x30: {  	s3 =	sld [smem:$0x3FB0]  }
0x31: {  	[smem:$0x3FB9] =	sst s10  }
0x32: {  	s10 =	sld [smem:$0x3FB7];
	_ =	sdelay $0x3  }
0x33: {  	p0 =	seq.s32 s10, $0x1;
	s10 =	sld [smem:$0x3FB9];
	_ =	sdelay $0x3  }
0x34: {  	[smem:$0x3FB9] =	sst s10  }
0x35: {  	s10 =	sld [smem:$0x3FB8];
	_ =	sdelay $0x3  }
0x36: {  	p1 =	seq.s32 s10, $0x1;
	s10 =	sld [smem:$0x3FB9];
	_ =	sdelay $0x3  }
0x37: {  	[smem:$0x3FB9] =	sst s10  }
0x38: {  	s10 =	sld [smem:$0x3FBA]  }
0x39: {  	_ = 	snop;
	(pc) =	sbr.ind lr, $3  }
0x3a: {  	_ = 	snop  }
0x3b: {  	_ = 	snop  }
0x3c: {  	p2 =	seq.s32 s10, $0x1;
	s10 =	sld [smem:$0x3FB9]  }
0x3d: {  	_ =	shalt  }
0x3e: {  	_ =	shalt  }
0x3f: {  	_ =	shalt  }
0x40: {  	_ =	shalt  }
0x41: {  	_ =	shalt  }
0x42: {  	_ =	shalt  }
0x43: {  	_ =	shalt  }
0x44: {  	_ =	shalt  }
0x45: {  	_ =	shalt  }
0x46: {  	_ =	shalt  }
0x47: {  	_ =	shalt  }
0x48: {  	_ =	shalt  }
0x49: {  	_ =	shalt  }
0x4a: {  	_ =	shalt  }
0x4b: {  	_ =	shalt  }
0x4c: {  	_ =	shalt  }
0x4d: {  	_ =	shalt  }
0x4e: {  	_ =	shalt  }
0x4f: {  	_ =	shalt  }
0x50: {  	_ =	shalt  }
0x51: {  	_ =	shalt  }
0x52: {  	_ =	shalt  }
0x53: {  	_ =	shalt  }
0x54: {  	_ =	shalt  }
0x55: {  	_ =	shalt  }
0x56: {  	_ =	shalt  }
0x57: {  	_ =	shalt  }
0x58: {  	_ =	shalt  }
0x59: {  	_ =	shalt  }
0x5a: {  	_ =	shalt  }
0x5b: {  	_ =	shalt  }
0x5c: {  	_ =	shalt  }
0x5d: {  	_ =	shalt  }
0x5e: {  	_ =	shalt  }
0x5f: {  	_ =	shalt  }
0x60: {  	_ =	shalt  }
0x61: {  	_ =	shalt  }
0x62: {  	_ =	shalt  }
0x63: {  	_ =	shalt  }
0x64: {  	_ =	shalt  }
0x65: {  	_ =	shalt  }
0x66: {  	_ =	shalt  }
0x67: {  	_ =	shalt  }
0x68: {  	_ =	shalt  }
0x69: {  	_ =	shalt  }
0x6a: {  	_ =	shalt  }
0x6b: {  	_ =	shalt  }
0x6c: {  	_ =	shalt  }
0x6d: {  	_ =	shalt  }
0x6e: {  	_ =	shalt  }
0x6f: {  	_ =	shalt  }
0x70: {  	_ =	shalt  }
0x71: {  	_ =	shalt  }
0x72: {  	_ =	shalt  }
0x73: {  	_ =	shalt  }
0x74: {  	_ =	shalt  }
0x75: {  	_ =	shalt  }
0x76: {  	_ =	shalt  }
0x77: {  	_ =	shalt  }
0x78: {  	_ =	shalt  }
0x79: {  	_ =	shalt  }
0x7a: {  	_ =	shalt  }
0x7b: {  	_ =	shalt  }
0x7c: {  	_ =	shalt  }
0x7d: {  	_ =	shalt  }
0x7e: {  	_ =	shalt  }
0x7f: {  	_ =	shalt  }
0x80: {  	_ =	shalt  }
0x81: {  	_ =	shalt  }
0x82: {  	_ =	shalt  }
0x83: {  	_ =	shalt  }
0x84: {  	_ =	shalt  }
0x85: {  	_ =	shalt  }
0x86: {  	_ =	shalt  }
0x87: {  	_ =	shalt  }
.Lfunc_end0:
.L_simem_size_0:
called_computation_lowered:
.L_overlay_start_0:
0x88: {  	s2 =	sld [smem:$0x3FD9]  }
0x89: {  	s3 =	sld [smem:$0x3FFE];
	_ =	sdelay $0x1  }
0x8a: {  	s1 =	srdreg.scid  }
0x8b: {  	s0 =	sand.u32 $0x1, s1  }
0x8c: {  	s17 =	sshll.u32 s0, $0xA;
	s2 =	sadd.s32 s3, s2  }
0x8d: {  	s2 =	sadd.s32 s2, s17  }
0x8e: {  	[smem:$0x3FC5] =	sst s2  }
0x8f: {  	_ = 	snop  }
0x90: {  	s2 =	sld [smem:$0x3FC9]  }
0x91: {  	s18 =	sld [smem:$0x3FC8]  }
0x92: {  	s4 =	sld [smem:$0x3FC7];
	(tm) =	ssettm $0x1  }
0x93: {  	s5 =	sld [smem:$0x3FFB];
	_ =	sdelay $0x3  }
0x94: {  	_ =	strace s5  }
0x95: {  	s5 =	sld [smem:$0x3FFC];
	_ =	sdelay $0x3  }
0x96: {  	_ =	strace s5  }
0x97: {  	s5 =	sld [smem:$0x3FFD];
	_ =	sdelay $0x3  }
0x98: {  	_ =	strace s5  }
0x99: {  	_ =	strace $0x8FFFFFFF  }
0x9a: {  	s19 =	sld [smem:$0x3FDB];
	_ =	sdelay $0x1  }
0x9b: {  	s6 =	simm.s32 $_scs_section_size  }
0x9c: {  	s7 =	simm.s32 $_size__tile_overlayer_lowered;
	s8 =	simm.s32 $_tile_overlayer_lowered  }
0x9d: {  	s22 =	simm.s32 $0x1BFF;
	s21 =	sshll.u32 s8, $0x1;
	s5 =	sadd.s32 s6, s19  }
0x9e: {  	s9 =	simm.s32 $0x0;
	s20 =	sshll.u32 s7, $0x1;
	s7 =	sadd.s32 s21, s5  }
0x9f: {  	[timem:s9], [sflag:s22] =	dma.local [hbm:s7], s20  }
0xa0: {  	_ =	swait.ge [sflag:s22], s20  }
0xa1: {  	s6 =	ssub.s32 $0x0, s20;
	[sflag:s22] =	ssyncset.done $0x0  }
0xa2: {  	[sflag:s22] =	ssyncadd.s32 s6;
	_ =	sdelay $0x1  }
0xa3: {  	s23 =	simm.s32 $0x1B8B  }
0xa4: {  	_ =	swait.ge [sflag:s23], $0x1  }
0xa5: {  	[sflag:s23] =	ssyncset.done $0x0  }
0xa6: {  	s25 =	simm.s32 $0x1B8E;
	s24 =	sld [smem:$0x3FFE];
	[sflag:s23] =	ssyncadd.s32 $0xFFFFFFFF  }
0xa7: {  	s26 =	simm.s32 $execute0_lowered;
	[smem:$0x3FD2] =	sst s25  }
0xa8: {  	s7 =	sshll.u32 s26, $0x1;
	_ =	strace $0x80000046;
	[dreg:$0x1] =	wrdreg $0xFFFFFFFF  }
0xa9: {  	s28 =	simm.s32 $_size_execute0_lowered;
	s5 =	sadd.s32 s5, s7;
	[dreg:$0x0] =	wrdreg $0x0  }
0xaa: {  	s7 =	sshll.u32 s28, $0x1;
	[dreg:$0x2] =	wrdreg s5  }
0xab: {  	[dreg:$0x3] =	wrdreg s7  }
0xac: {  	[dreg:$0x4] =	wrdreg $0xC0  }
0xad: {  	_ =	task [dreg:s9], $0x5FFFF  }
0xae: {  	[dreg:$0x1] =	wrdreg $0xFFFFFFFF  }
0xaf: {  	[dreg:$0x0] =	wrdreg $0x60  }
0xb0: {  	[dreg:$0x2] =	wrdreg s2  }
0xb1: {  	[dreg:$0x3] =	wrdreg s18  }
0xb2: {  	[dreg:$0x4] =	wrdreg s4  }
0xb3: {  	[dreg:$0x5] =	wrdreg s24  }
0xb4: {  	[dreg:$0x6] =	wrdreg $0x9  }
0xb5: {  	_ =	task.clear_ibuf [dreg:s9], $0x7FFFF;
	_ =	strace $0x90000046  }
0xb6: {  	s29 =	simm.s32 $0x9;
	_ =	strace $0x80000048  }
0xb7: {  	_ =	swait.ge [sflag:s29], $0x1  }
0xb8: {  	[sflag:s29] =	ssyncadd.s32 $0xFFFFFFFF  }
0xb9: {  	_ =	strace $0x90000048  }
0xba: {  	_ =	sfence  }
0xbb: {  	s30 =	sld [smem:$0x0];
	_ =	sdelay $0x2  }
0xbc: {  	s31 =	sshll.u32 s1, $0xD;
	s1 =	sshrl.u32 s1, $0x2  }
0xbd: {  	s3 =	sand.u32 $0x4000, s31;
	s1 =	sadd.s32 s1, s30  }
0xbe: {  	s0 =	sor.u32 s3, s0;
	s1 =	sshll.u32 s1, $0x11  }
0xbf: {  	s0 =	sor.u32 s1, s0  }
0xc0: {  	s0 =	sadd.s32 $0x8F2B, s0  }
0xc1: {  	[sflag:s0] =	ssyncadd.remote.s32 $0x1  }
0xc2: {  	_ =	sfence.sel $0xFFFF  }
0xc3: {  	[dreg:$0x0] =	wrdreg $0xFFFFFFFF;
	(pc) =	sbr.abs _section_cstart, $3  }
0xc4: {  	[dreg:$0x1] =	wrdreg $0xFFFFFFFF  }
0xc5: {  	_ =	task.clear_ibuf [dreg:s9], $0x2FFFF;
	_ =	strace $0x9FFFFFFF  }
0xc6: {  	(tm) =	ssettm $0x7FFFFFFF  }
0xc7: {  	_ =	shalt  }
tec
execute0_lowered:
.L_overlay_start_1:
0x0: {  	(tag) =	ssettag $0x1  }
0x1: {  	s1 =	rddreg [dreg:$0x0]  }
0x2: {  	s2 =	rddreg [dreg:$0x1]  }
0x3: {  	s3 =	srdreg.scid;
	s4 =	rddreg [dreg:$0x2]  }
0x4: {  	s0 =	stileid.u32;
	s8 =	rddreg [dreg:$0x3]  }
0x5: {  	s5 =	simm.s32 $0x0;
	s14 =	simm.s32 $0x3;
	s15 =	simm.s32 $0x1  }
0x6: {  	s16 =	simm.s32 $0x80;
	s17 =	simm.s32 $0x2;
	s18 =	simm.s32 $0x400  }
0x7: {  	s6 =	sand.u32 $0x1, s3;
	s30 =	sshll.u32 s0, $0x1;
	s3 =	rddreg [dreg:$0x4]  }
0x8: {  	v0 =	vimm.s32 $0xFFEDCBA9;
	v1 =	vimm.s32 $0x87654321;
	s19 =	simm.s32 $0x0;
	[smem:$0x7FF] =	sst s5;
	s7 =	sor.u32 s6, s30  }
0x9: {  	v0 =	vunpack.c.l.s4.s8 v0;
	v1 =	vunpack.c.l.s4.s8 v1;
	s6 =	ssub.s32 $0x2, s6;
	_ =	strace $0x80000047;
	s9 =	sshll.u32 s7, $0xE  }
0xa: {  	s10 =	sshll.u32 s7, $0x7;
	s11 =	sshrl.u32 s6, $0x1;
	s31 =	sshll.u32 s7, $0x11  }
.Ltmp0:
0xb: {  	v0 =	vunpack.c.0.s8.s32 v0;
	v1 =	vunpack.c.0.s8.s32 v1;
	s10 =	sor.u32 s10, s9;
	s13 =	ssub.s32 s6, s11;
	(pc) =	sbr.rel .LBB2_1-.Ltmp0, $4  }
0xc: {  	s6 =	sadd.s32 s1, s9;
	s7 =	sadd.s32 s2, s9;
	s10 =	sand.u32 $0x60380, s10  }
0xd: {  	s9 =	sor.u32 $0x800, s9;
	s11 =	sor.u32 $0xC000, s31;
	v1 =	vcombine.low v1, v0;
	s10 =	sshrl.u32 s10, $0x3  }
0xe: {  	s13 =	smax.u32 s13, $0x1;
	s12 =	sadd.s32 s10, s8;
	s8 =	sadd.s32 s1, s9  }
0xf: {  	vm0 =	vcmask $0x3F3C;
	v0 =	vimm.f32 $0.0e+00;
	s9 =	sadd.s32 s2, s9;
	s10 =	sor.u32 $0x8000, s31;
	v1 =	vand.u32 $0xF, v1;
	s12 =	sadd.s32 $0x600, s12  }
.LBB2_28:
0x10: {  	s19 =	sadd.s32 $0x1, s19  }
0x11: {  	p0 =	sne.s32 s19, s13  }
.Ltmp1:
0x12: {  	_ = 	snop;
	(pc) =	sbr.rel @!p0 .LBB2_29-.Ltmp1, $4  }
0x13: {  	[hbm4b:s12+s16] =	stream.strided.scatter [tilespmem:s16], [sflag:$0x3], $0x4000, s18, s16, $0x38;
	[tilespmem:$0x14080] =	vst v63  }
0x14: {  	_ =	swait.ge [sflag:s14], $0x4000  }
0x15: {  	[sflag:s14] =	ssyncset.done $0x0  }
0x16: {  	[sflag:s14] =	ssyncadd.s32 $0xFFFFC000  }
.LBB2_1:
0x17: {  	s20 =	simm.s32 $0x4080  }
0x18: {  	s21 =	simm.s32 $0x10;
	s23 =	sadd.s32 $0x0, s6;
	s22 =	simm.s32 $0x4180  }
.LBB2_2:
0x19: {  	[tilespmem:s20], [sflag:$0x1] =	stream.linear.gather [hbm4b:s23+s5], $0x80, $0x38;
	[tilespmem:$0x14080] =	vst v63  }
0x1a: {  	s23 =	smov.u32 s21;
	s20 =	smov.u32 s22;
	p0 =	sne.s32 s21, $0x7F0  }
.Ltmp2:
0x1b: {  	s21 =	sadd.s32 $0x10, s21;
	(pc) =	sbr.rel @p0 .LBB2_2-.Ltmp2, $2  }
0x1c: {  	_ =	sdelay $0x2  }
0x1d: {  	s22 =	sadd.s32 $0x100, s22;
	s23 =	sadd.s32 s23, s6  }
0x1e: {  	[tilespmem:s20], [sflag:$0x1] =	stream.linear.gather [hbm4b:s23+s5], $0x80, $0x38;
	[tilespmem:$0x14080] =	vst v63  }
0x1f: {  	s20 =	simm.s32 $0xC080  }
0x20: {  	s21 =	simm.s32 $0x10;
	s23 =	sadd.s32 $0x0, s7;
	s22 =	simm.s32 $0xC180  }
.LBB2_4:
0x21: {  	[tilespmem:s20], [sflag:$0x1] =	stream.linear.gather [hbm4b:s23+s5], $0x80, $0x38;
	[tilespmem:$0x14080] =	vst v63  }
0x22: {  	s23 =	smov.u32 s21;
	s20 =	smov.u32 s22;
	p0 =	sne.s32 s21, $0x7F0  }
.Ltmp3:
0x23: {  	s21 =	sadd.s32 $0x10, s21;
	(pc) =	sbr.rel @p0 .LBB2_4-.Ltmp3, $2  }
0x24: {  	_ =	sdelay $0x2  }
0x25: {  	s22 =	sadd.s32 $0x100, s22;
	s23 =	sadd.s32 s23, s7  }
0x26: {  	[tilespmem:s20], [sflag:$0x1] =	stream.linear.gather [hbm4b:s23+s5], $0x80, $0x38;
	[tilespmem:$0x14080] =	vst v63  }
0x27: {  	s20 =	simm.s32 $0x4100  }
0x28: {  	s21 =	simm.s32 $0x10;
	s23 =	sadd.s32 $0x0, s8;
	s22 =	simm.s32 $0x4200  }
.LBB2_6:
0x29: {  	[tilespmem:s20], [sflag:$0x2] =	stream.linear.gather [hbm4b:s23+s5], $0x80, $0x38;
	[tilespmem:$0x14080] =	vst v63  }
0x2a: {  	s23 =	smov.u32 s21;
	s20 =	smov.u32 s22;
	p0 =	sne.s32 s21, $0x7F0  }
.Ltmp4:
0x2b: {  	s21 =	sadd.s32 $0x10, s21;
	(pc) =	sbr.rel @p0 .LBB2_6-.Ltmp4, $2  }
0x2c: {  	_ =	sdelay $0x2  }
0x2d: {  	s22 =	sadd.s32 $0x100, s22;
	s23 =	sadd.s32 s23, s8  }
0x2e: {  	[tilespmem:s20], [sflag:$0x2] =	stream.linear.gather [hbm4b:s23+s5], $0x80, $0x38;
	[tilespmem:$0x14080] =	vst v63  }
0x2f: {  	s20 =	simm.s32 $0xC100  }
0x30: {  	s21 =	simm.s32 $0x10;
	s23 =	sadd.s32 $0x0, s9;
	s22 =	simm.s32 $0xC200  }
.LBB2_8:
0x31: {  	[tilespmem:s20], [sflag:$0x2] =	stream.linear.gather [hbm4b:s23+s5], $0x80, $0x38;
	[tilespmem:$0x14080] =	vst v63  }
0x32: {  	s23 =	smov.u32 s21;
	s20 =	smov.u32 s22;
	p0 =	sne.s32 s21, $0x7F0  }
.Ltmp5:
0x33: {  	s21 =	sadd.s32 $0x10, s21;
	(pc) =	sbr.rel @p0 .LBB2_8-.Ltmp5, $2  }
0x34: {  	_ =	sdelay $0x2  }
0x35: {  	s22 =	sadd.s32 $0x100, s22;
	s23 =	sadd.s32 s23, s9  }
0x36: {  	[tilespmem:s20], [sflag:$0x2] =	stream.linear.gather [hbm4b:s23+s5], $0x80, $0x38;
	[tilespmem:$0x14080] =	vst v63  }
0x37: {  	_ = 	snop  }
0x38: {  	[tilespmem:s5], [sflag:$0x3] =	stream.linear.gather [hbm4b:s4+s5], $0xA, $0x38;
	[tilespmem:$0x14080] =	vst v63  }
0x39: {  	_ =	swait.ge [sflag:s14], $0xA  }
0x3a: {  	[sflag:s14] =	ssyncset.done $0x0  }
0x3b: {  	s20 =	simm.s32 $0xC0;
	[sflag:s14] =	ssyncadd.s32 $0xFFFFFFF6  }
0x3c: {  	v2 =	vld [tilespmem:$0x0];
	[tilespmem:s20+$0xFFFFFFC0] =	vst v0  }
0x3d: {  	[tilespmem:s20+$0x30] =	vst v0  }
0x3e: {  	[tilespmem:s20+$0x20] =	vst v0  }
0x3f: {  	[tilespmem:s20+$0x10] =	vst v0  }
0x40: {  	[tilespmem:s20+$0x0] =	vst v0  }
0x41: {  	[tilespmem:s20+$0xFFFFFFF0] =	vst v0  }
0x42: {  	s21 =	simm.s32 $0x0;
	[tilespmem:s20+$0xFFFFFFE0] =	vst v0  }
.LBB2_10:
0x43: {  	s21 =	sadd.s32 $0x80, s21;
	[tilespmem:s20+$0xFFFFFFD0] =	vst v0;
	s20 =	sadd.s32 $0x80, s20  }
0x44: {  	[tilespmem:s20+$0xFFFFFFC0] =	vst v0;
	p0 =	slt.u32 s21, $0x3F80  }
0x45: {  	[tilespmem:s20+$0x30] =	vst v0  }
.Ltmp6:
0x46: {  	[tilespmem:s20+$0x20] =	vst v0;
	(pc) =	sbr.rel @p0 .LBB2_10-.Ltmp6, $4  }
0x47: {  	[tilespmem:s20+$0x10] =	vst v0  }
0x48: {  	[tilespmem:s20+$0x0] =	vst v0  }
0x49: {  	[tilespmem:s20+$0xFFFFFFF0] =	vst v0  }
0x4a: {  	[tilespmem:s20+$0xFFFFFFE0] =	vst v0  }
0x4b: {  	[tilespmem:s20+$0xFFFFFFD0] =	vst v0;
	s20 =	simm.s32 $0x0  }
.LBB2_12:
0x4c: {  	_ =	swait.ge [sflag:s15], $0x4000  }
0x4d: {  	[sflag:s15] =	ssyncset.done $0x0  }
0x4e: {  	[sflag:s15] =	ssyncadd.s32 $0xFFFFC000  }
0x4f: {  	_ =	swait.ge [sflag:s15], $0x4000  }
0x50: {  	[sflag:s15] =	ssyncset.done $0x0  }
0x51: {  	s22 =	simm.s32 $0x40C0;
	[sflag:s15] =	ssyncadd.s32 $0xFFFFC000  }
0x52: {  	v3 =	vld [tilespmem:s22+$0x20];
	_ =	sdelay $0x2  }
0x53: {  	s21 =	simm.s32 $0xC0C0;
	v4 =	vld [tilespmem:s22+$0x10]  }
0x54: {  	v7 =	vld [tilespmem:s21+$0x20]  }
0x55: {  	v3 =	vperm.xlane v2, v3;
	_ =	sdelay $0x1  }
0x56: {  	(xrf2) =	vadd.scan.msk.f32 $0xffff, v3;
	_ =	sdelay $0x1  }
0x57: {  	v3 =	vperm.xlane v2, v4;
	v4 =	vperm.xlane v7, v1;
	_ =	sdelay $0x1  }
0x58: {  	vm2 =	vne.s32 v7, v4  }
0x59: {  	v5 =	vld [tilespmem:s22+$0x0];
	vm3 =	vmor vm2, vm0  }
0x5a: {  	v9 =	vld [tilespmem:s21+$0x10];
	_ =	sdelay $0x1  }
0x5b: {  	v10 =	vld [tilespmem:s22+$0xFFFFFFD0]  }
0x5c: {  	v12 =	vld [tilespmem:s21+$0x0];
	(xrf2) =	vadd.scan.msk.f32 $0xffff, v3  }
0x5d: {  	v11 =	vld [tilespmem:s22+$0xFFFFFFE0];
	v3 =	vperm.xlane v2, v5;
	v8, _, _ =	vpop (xrf2)  }
0x5e: {  	v14 =	vperm.xlane v9, v1;
	[tilespmem:v7+s16+$0x0] =	vst.idx.add.f32.msk vm3, v8;
	v7 =	vsub.f32 $0.0e+00, v8  }
0x5f: {  	v13 =	vld [tilespmem:s22+$0xFFFFFFF0];
	(xrf2) =	vadd.scan.msk.f32 $0xffff, v3  }
0x60: {  	vm4 =	vne.s32 v9, v14;
	[tilespmem:v4+s16+$0x0] =	vst.idx.add.f32.msk vm2, v7;
	v4 =	vperm.xlane v2, v10  }
0x61: {  	v15 =	vld [tilespmem:s22+$0xFFFFFFC0];
	vm5 =	vmor vm4, vm0;
	v5 =	vperm.xlane v12, v1  }
0x62: {  	v6 =	vld [tilespmem:s21+$0xFFFFFFC0];
	(xrf2) =	vadd.scan.msk.f32 $0xffff, v4  }
0x63: {  	v16 =	vld [tilespmem:s22+$0x30];
	v17 =	vperm.xlane v2, v11;
	vm1 =	vne.s32 v12, v5  }
0x64: {  	v3 =	vld [tilespmem:s21+$0xFFFFFFD0];
	vm3 =	vmor vm1, vm0  }
0x65: {  	v8 =	vld [tilespmem:s21+$0xFFFFFFF0];
	(xrf2) =	vadd.scan.msk.f32 $0xffff, v17  }
0x66: {  	v15 =	vperm.xlane v2, v15;
	v7 =	vld [tilespmem:s21+$0xFFFFFFE0];
	v10, _, _ =	vpop (xrf2)  }
0x67: {  	[tilespmem:v9+s16+$0x0] =	vst.idx.add.f32.msk vm5, v10;
	v10 =	vsub.f32 $0.0e+00, v10  }
0x68: {  	v9 =	vld [tilespmem:s21+$0x30];
	(xrf2) =	vadd.scan.msk.f32 $0xffff, v15  }
0x69: {  	v11 =	vperm.xlane v2, v13;
	v13 =	vperm.xlane v2, v16;
	[tilespmem:v14+s16+$0x0] =	vst.idx.add.f32.msk vm4, v10;
	v14, _, _ =	vpop (xrf2)  }
0x6a: {  	s23 =	simm.s32 $0x41C0;
	s22 =	simm.s32 $0x0;
	v4 =	vperm.xlane v6, v1;
	v10 =	vperm.xlane v8, v1;
	[tilespmem:v12+s16+$0x0] =	vst.idx.add.f32.msk vm3, v14;
	v12 =	vsub.f32 $0.0e+00, v14  }
.LBB2_13:
0x6b: {  	v14 =	vld [tilespmem:s23+$0x20];
	s22 =	sadd.s32 $0x80, s22;
	s21 =	sadd.s32 $0x100, s21;
	(xrf2) =	vadd.scan.msk.f32 $0xffff, v11  }
0x6c: {  	v16 =	vperm.xlane v7, v1;
	v15 =	vld [tilespmem:s21+$0x0];
	p0 =	slt.u32 s22, $0x3F80;
	vm3 =	vne.s32 v8, v10;
	v11, _, _ =	vpop (xrf2)  }
0x6d: {  	vm2 =	vne.s32 v6, v4;
	v17 =	vld [tilespmem:s21+$0x10];
	vm7 =	vmor vm3, vm0  }
0x6e: {  	vm8 =	vmor vm2, vm0;
	vm4 =	vne.s32 v7, v16;
	v19 =	vperm.xlane v9, v1;
	v18 =	vld [tilespmem:s23+$0xFFFFFFD0];
	(xrf2) =	vadd.scan.msk.f32 $0xffff, v13  }
0x6f: {  	v20 =	vperm.xlane v3, v1;
	vm9 =	vmor vm4, vm0;
	v13 =	vld [tilespmem:s23+$0xFFFFFFE0];
	v21, _, _ =	vpop (xrf2)  }
0x70: {  	v23 =	vsub.f32 $0.0e+00, v11;
	vm6 =	vne.s32 v9, v19;
	v22 =	vld [tilespmem:s23+$0xFFFFFFF0]  }
0x71: {  	vm5 =	vne.s32 v3, v20;
	vm10 =	vmor vm6, vm0;
	v24 =	vld [tilespmem:s23+$0x0]  }
0x72: {  	vm11 =	vmor vm5, vm0;
	v25 =	vld [tilespmem:s23+$0x10];
	v26, _, _ =	vpop (xrf2)  }
0x73: {  	v27 =	vld [tilespmem:s21+$0x20]  }
0x74: {  	[tilespmem:v6+s16+$0x0] =	vst.idx.add.f32.msk vm8, v26  }
0x75: {  	[tilespmem:v5+s16+$0x0] =	vst.idx.add.f32.msk vm1, v12;
	v5, _, _ =	vpop (xrf2)  }
0x76: {  	v6 =	vsub.f32 $0.0e+00, v21;
	[tilespmem:v7+s16+$0x0] =	vst.idx.add.f32.msk vm9, v21  }
0x77: {  	v7 =	vperm.xlane v2, v14;
	[tilespmem:v8+s16+$0x0] =	vst.idx.add.f32.msk vm7, v5  }
0x78: {  	v8 =	vperm.xlane v2, v25;
	[tilespmem:v3+s16+$0x0] =	vst.idx.add.f32.msk vm11, v11;
	v3, _, _ =	vpop (xrf2)  }
0x79: {  	v14 =	vperm.xlane v2, v24;
	v12 =	vld [tilespmem:s23+$0xFFFFFFC0];
	(xrf2) =	vadd.scan.msk.f32 $0xffff, v7;
	v7 =	vsub.f32 $0.0e+00, v26;
	v21 =	vsub.f32 $0.0e+00, v3  }
0x7a: {  	v5 =	vsub.f32 $0.0e+00, v5;
	v11 =	vperm.xlane v2, v22;
	[tilespmem:v9+s16+$0x0] =	vst.idx.add.f32.msk vm10, v3  }
0x7b: {  	v9 =	vperm.xlane v2, v13;
	v13 =	vperm.xlane v27, v1;
	[tilespmem:v19+s16+$0x0] =	vst.idx.add.f32.msk vm6, v21  }
0x7c: {  	v18 =	vperm.xlane v2, v18;
	(xrf2) =	vadd.scan.msk.f32 $0xffff, v8;
	[tilespmem:v10+s16+$0x0] =	vst.idx.add.f32.msk vm3, v5  }
0x7d: {  	vm3 =	vne.s32 v27, v13;
	[tilespmem:v16+s16+$0x0] =	vst.idx.add.f32.msk vm4, v6  }
0x7e: {  	v10 =	vperm.xlane v17, v1;
	vm4 =	vmor vm3, vm0;
	[tilespmem:v4+s16+$0x0] =	vst.idx.add.f32.msk vm2, v7  }
0x7f: {  	(xrf2) =	vadd.scan.msk.f32 $0xffff, v14;
	[tilespmem:v20+s16+$0x0] =	vst.idx.add.f32.msk vm5, v23  }
0x80: {  	vm2 =	vne.s32 v17, v10;
	v3 =	vld [tilespmem:s21+$0xFFFFFFD0]  }
0x81: {  	v5 =	vperm.xlane v15, v1;
	vm5 =	vmor vm2, vm0;
	v6 =	vld [tilespmem:s21+$0xFFFFFFC0]  }
0x82: {  	v14 =	vld [tilespmem:s23+$0x30];
	(xrf2) =	vadd.scan.msk.f32 $0xffff, v18  }
0x83: {  	vm1 =	vne.s32 v15, v5;
	v7 =	vld [tilespmem:s21+$0xFFFFFFE0];
	v4, _, _ =	vpop (xrf2)  }
0x84: {  	v12 =	vperm.xlane v2, v12;
	vm6 =	vmor vm1, vm0;
	[tilespmem:v27+s16+$0x0] =	vst.idx.add.f32.msk vm4, v4;
	v16 =	vsub.f32 $0.0e+00, v4  }
0x85: {  	v8 =	vld [tilespmem:s21+$0xFFFFFFF0];
	(xrf2) =	vadd.scan.msk.f32 $0xffff, v9  }
.Ltmp7:
0x86: {  	v4 =	vperm.xlane v6, v1;
	[tilespmem:v13+s16+$0x0] =	vst.idx.add.f32.msk vm3, v16;
	v9, _, _ =	vpop (xrf2);
	(pc) =	sbr.rel @p0 .LBB2_13-.Ltmp7, $4  }
0x87: {  	[tilespmem:v17+s16+$0x0] =	vst.idx.add.f32.msk vm5, v9;
	v16 =	vsub.f32 $0.0e+00, v9;
	v13 =	vperm.xlane v2, v14  }
0x88: {  	v9 =	vld [tilespmem:s21+$0x30];
	(xrf2) =	vadd.scan.msk.f32 $0xffff, v12  }
0x89: {  	[tilespmem:v10+s16+$0x0] =	vst.idx.add.f32.msk vm2, v16;
	v12, _, _ =	vpop (xrf2)  }
0x8a: {  	s23 =	sadd.s32 $0x100, s23;
	v10 =	vperm.xlane v8, v1;
	[tilespmem:v15+s16+$0x0] =	vst.idx.add.f32.msk vm6, v12;
	v12 =	vsub.f32 $0.0e+00, v12  }
0x8b: {  	v58 =	vperm.xlane v7, v1  }
0x8c: {  	(xrf2) =	vadd.scan.msk.f32 $0xffff, v11;
	vm2 =	vne.s32 v6, v4;
	v59 =	vperm.xlane v3, v1  }
0x8d: {  	(xrf2) =	vadd.scan.msk.f32 $0xffff, v13;
	vm3 =	vmor vm2, vm0;
	vm4 =	vne.s32 v7, v58  }
0x8e: {  	vm8 =	vne.s32 v3, v59;
	vm6 =	vmor vm4, vm0  }
0x8f: {  	vm10 =	vmor vm8, vm0  }
0x90: {  	v15, _, _ =	vpop (xrf2);
	v14 =	vperm.xlane v9, v1  }
0x91: {  	vm5 =	vne.s32 v8, v10;
	v16, _, _ =	vpop (xrf2)  }
0x92: {  	[tilespmem:v5+s16+$0x0] =	vst.idx.add.f32.msk vm1, v12;
	vm7 =	vmor vm5, vm0;
	vm9 =	vne.s32 v9, v14;
	v17, _, _ =	vpop (xrf2)  }
0x93: {  	vm11 =	vmor vm9, vm0;
	[tilespmem:v6+s16+$0x0] =	vst.idx.add.f32.msk vm3, v17  }
0x94: {  	v62 =	vsub.f32 $0.0e+00, v16;
	[tilespmem:v7+s16+$0x0] =	vst.idx.add.f32.msk vm6, v16  }
0x95: {  	v63 =	vsub.f32 $0.0e+00, v15;
	[tilespmem:v3+s16+$0x0] =	vst.idx.add.f32.msk vm10, v15  }
0x96: {  	v60, _, _ =	vpop (xrf2);
	[tilespmem:v58+s16+$0x0] =	vst.idx.add.f32.msk vm4, v62  }
0x97: {  	p0 =	seq.s32 s20, $0x3;
	[tilespmem:v59+s16+$0x0] =	vst.idx.add.f32.msk vm8, v63;
	v61, _, _ =	vpop (xrf2)  }
.Ltmp8:
0x98: {  	[tilespmem:v8+s16+$0x0] =	vst.idx.add.f32.msk vm7, v60;
	v3 =	vsub.f32 $0.0e+00, v61;
	(pc) =	sbr.rel @p0 .LBB2_20-.Ltmp8, $4  }
0x99: {  	v5 =	vsub.f32 $0.0e+00, v60;
	[tilespmem:v9+s16+$0x0] =	vst.idx.add.f32.msk vm11, v61  }
0x9a: {  	[tilespmem:v14+s16+$0x0] =	vst.idx.add.f32.msk vm9, v3;
	v3 =	vsub.f32 $0.0e+00, v17  }
0x9b: {  	[tilespmem:v10+s16+$0x0] =	vst.idx.add.f32.msk vm5, v5  }
0x9c: {  	s21 =	sshll.u32 s20, $0xF;
	[tilespmem:v4+s16+$0x0] =	vst.idx.add.f32.msk vm2, v3  }
0x9d: {  	s22 =	sadd.s32 s21, s10  }
0x9e: {  	s22 =	sshrl.u32 s22, $0x3  }
0x9f: {  	s24 =	simm.s32 $0x4080;
	s23 =	sadd.s32 s1, s22  }
0xa0: {  	s25 =	simm.s32 $0x10;
	s26 =	simm.s32 $0x4180;
	s28 =	sadd.s32 $0x0, s23  }
.LBB2_16:
0xa1: {  	[tilespmem:s24], [sflag:$0x1] =	stream.linear.gather [hbm4b:s28+s5], $0x80, $0x38;
	[tilespmem:$0x14080] =	vst v63  }
0xa2: {  	s28 =	smov.u32 s25;
	s24 =	smov.u32 s26;
	p1 =	sne.s32 s25, $0x7F0  }
.Ltmp9:
0xa3: {  	s25 =	sadd.s32 $0x10, s25;
	(pc) =	sbr.rel @p1 .LBB2_16-.Ltmp9, $2  }
0xa4: {  	_ =	sdelay $0x2  }
0xa5: {  	s26 =	sadd.s32 $0x100, s26;
	s28 =	sadd.s32 s28, s23  }
0xa6: {  	[tilespmem:s24], [sflag:$0x1] =	stream.linear.gather [hbm4b:s28+s5], $0x80, $0x38;
	[tilespmem:$0x14080] =	vst v63  }
0xa7: {  	s22 =	sadd.s32 s2, s22;
	s23 =	simm.s32 $0xC080  }
0xa8: {  	s24 =	simm.s32 $0x10;
	s25 =	simm.s32 $0xC180;
	s26 =	sadd.s32 $0x0, s22  }
.LBB2_18:
0xa9: {  	[tilespmem:s23], [sflag:$0x1] =	stream.linear.gather [hbm4b:s26+s5], $0x80, $0x38;
	[tilespmem:$0x14080] =	vst v63  }
0xaa: {  	s26 =	smov.u32 s24;
	s23 =	smov.u32 s25;
	p1 =	sne.s32 s24, $0x7F0  }
.Ltmp10:
0xab: {  	s24 =	sadd.s32 $0x10, s24;
	(pc) =	sbr.rel @p1 .LBB2_18-.Ltmp10, $2  }
0xac: {  	_ =	sdelay $0x2  }
0xad: {  	s25 =	sadd.s32 $0x100, s25;
	s26 =	sadd.s32 s26, s22  }
0xae: {  	[tilespmem:s23], [sflag:$0x1] =	stream.linear.gather [hbm4b:s26+s5], $0x80, $0x38;
	[tilespmem:$0x14080] =	vst v63  }
.LBB2_20:
0xaf: {  	_ =	swait.ge [sflag:s17], $0x4000  }
0xb0: {  	[sflag:s17] =	ssyncset.done $0x0  }
0xb1: {  	[sflag:s17] =	ssyncadd.s32 $0xFFFFC000  }
0xb2: {  	_ =	swait.ge [sflag:s17], $0x4000  }
0xb3: {  	[sflag:s17] =	ssyncset.done $0x0  }
0xb4: {  	s23 =	simm.s32 $0x4170;
	[sflag:s17] =	ssyncadd.s32 $0xFFFFC000  }
0xb5: {  	v3 =	vld [tilespmem:s23+$0xFFFFFFF0];
	_ =	sdelay $0x2  }
0xb6: {  	s22 =	simm.s32 $0xC170;
	v4 =	vld [tilespmem:s23+$0xFFFFFFE0]  }
0xb7: {  	v7 =	vld [tilespmem:s22+$0xFFFFFFF0]  }
0xb8: {  	v3 =	vperm.xlane v2, v3;
	_ =	sdelay $0x1  }
0xb9: {  	(xrf2) =	vadd.scan.msk.f32 $0xffff, v3;
	_ =	sdelay $0x1  }
0xba: {  	v3 =	vperm.xlane v2, v4;
	v4 =	vperm.xlane v7, v1;
	_ =	sdelay $0x1  }
0xbb: {  	vm2 =	vne.s32 v7, v4  }
0xbc: {  	v5 =	vld [tilespmem:s23+$0xFFFFFFD0];
	vm3 =	vmor vm2, vm0  }
0xbd: {  	v9 =	vld [tilespmem:s22+$0xFFFFFFE0];
	_ =	sdelay $0x1  }
0xbe: {  	v10 =	vld [tilespmem:s23+$0xFFFFFFA0]  }
0xbf: {  	v12 =	vld [tilespmem:s22+$0xFFFFFFD0];
	(xrf2) =	vadd.scan.msk.f32 $0xffff, v3  }
0xc0: {  	v11 =	vld [tilespmem:s23+$0xFFFFFFB0];
	v3 =	vperm.xlane v2, v5;
	v8, _, _ =	vpop (xrf2)  }
0xc1: {  	v14 =	vperm.xlane v9, v1;
	[tilespmem:v7+s16+$0x0] =	vst.idx.add.f32.msk vm3, v8;
	v7 =	vsub.f32 $0.0e+00, v8  }
0xc2: {  	v13 =	vld [tilespmem:s23+$0xFFFFFFC0];
	(xrf2) =	vadd.scan.msk.f32 $0xffff, v3  }
0xc3: {  	vm4 =	vne.s32 v9, v14;
	[tilespmem:v4+s16+$0x0] =	vst.idx.add.f32.msk vm2, v7;
	v4 =	vperm.xlane v2, v10  }
0xc4: {  	v15 =	vld [tilespmem:s23+$0xFFFFFF90];
	vm5 =	vmor vm4, vm0;
	v5 =	vperm.xlane v12, v1  }
0xc5: {  	v6 =	vld [tilespmem:s22+$0xFFFFFF90];
	(xrf2) =	vadd.scan.msk.f32 $0xffff, v4  }
0xc6: {  	v16 =	vld [tilespmem:s23+$0x0];
	v17 =	vperm.xlane v2, v11;
	vm1 =	vne.s32 v12, v5  }
0xc7: {  	v3 =	vld [tilespmem:s22+$0xFFFFFFA0];
	vm3 =	vmor vm1, vm0  }
0xc8: {  	v8 =	vld [tilespmem:s22+$0xFFFFFFC0];
	(xrf2) =	vadd.scan.msk.f32 $0xffff, v17  }
0xc9: {  	v15 =	vperm.xlane v2, v15;
	v7 =	vld [tilespmem:s22+$0xFFFFFFB0];
	v10, _, _ =	vpop (xrf2)  }
0xca: {  	[tilespmem:v9+s16+$0x0] =	vst.idx.add.f32.msk vm5, v10;
	v10 =	vsub.f32 $0.0e+00, v10  }
0xcb: {  	v9 =	vld [tilespmem:s22+$0x0];
	(xrf2) =	vadd.scan.msk.f32 $0xffff, v15  }
0xcc: {  	v11 =	vperm.xlane v2, v13;
	v13 =	vperm.xlane v2, v16;
	[tilespmem:v14+s16+$0x0] =	vst.idx.add.f32.msk vm4, v10;
	v14, _, _ =	vpop (xrf2)  }
0xcd: {  	s24 =	simm.s32 $0x4270;
	s23 =	simm.s32 $0x0;
	v4 =	vperm.xlane v6, v1;
	v10 =	vperm.xlane v8, v1;
	[tilespmem:v12+s16+$0x0] =	vst.idx.add.f32.msk vm3, v14;
	v12 =	vsub.f32 $0.0e+00, v14  }
.LBB2_21:
0xce: {  	v14 =	vld [tilespmem:s24+$0xFFFFFFF0];
	s23 =	sadd.s32 $0x80, s23;
	s22 =	sadd.s32 $0x100, s22;
	(xrf2) =	vadd.scan.msk.f32 $0xffff, v11  }
0xcf: {  	v16 =	vperm.xlane v7, v1;
	v15 =	vld [tilespmem:s22+$0xFFFFFFD0];
	p1 =	slt.u32 s23, $0x3F80;
	vm3 =	vne.s32 v8, v10;
	v11, _, _ =	vpop (xrf2)  }
0xd0: {  	vm2 =	vne.s32 v6, v4;
	v17 =	vld [tilespmem:s22+$0xFFFFFFE0];
	vm7 =	vmor vm3, vm0  }
0xd1: {  	vm8 =	vmor vm2, vm0;
	vm4 =	vne.s32 v7, v16;
	v19 =	vperm.xlane v9, v1;
	v18 =	vld [tilespmem:s24+$0xFFFFFFA0];
	(xrf2) =	vadd.scan.msk.f32 $0xffff, v13  }
0xd2: {  	v20 =	vperm.xlane v3, v1;
	vm9 =	vmor vm4, vm0;
	v13 =	vld [tilespmem:s24+$0xFFFFFFB0];
	v21, _, _ =	vpop (xrf2)  }
0xd3: {  	v23 =	vsub.f32 $0.0e+00, v11;
	vm6 =	vne.s32 v9, v19;
	v22 =	vld [tilespmem:s24+$0xFFFFFFC0]  }
0xd4: {  	vm5 =	vne.s32 v3, v20;
	vm10 =	vmor vm6, vm0;
	v24 =	vld [tilespmem:s24+$0xFFFFFFD0]  }
0xd5: {  	vm11 =	vmor vm5, vm0;
	v25 =	vld [tilespmem:s24+$0xFFFFFFE0];
	v26, _, _ =	vpop (xrf2)  }
0xd6: {  	v27 =	vld [tilespmem:s22+$0xFFFFFFF0]  }
0xd7: {  	[tilespmem:v6+s16+$0x0] =	vst.idx.add.f32.msk vm8, v26  }
0xd8: {  	[tilespmem:v5+s16+$0x0] =	vst.idx.add.f32.msk vm1, v12;
	v5, _, _ =	vpop (xrf2)  }
0xd9: {  	v6 =	vsub.f32 $0.0e+00, v21;
	[tilespmem:v7+s16+$0x0] =	vst.idx.add.f32.msk vm9, v21  }
0xda: {  	v7 =	vperm.xlane v2, v14;
	[tilespmem:v8+s16+$0x0] =	vst.idx.add.f32.msk vm7, v5  }
0xdb: {  	v8 =	vperm.xlane v2, v25;
	[tilespmem:v3+s16+$0x0] =	vst.idx.add.f32.msk vm11, v11;
	v3, _, _ =	vpop (xrf2)  }
0xdc: {  	v14 =	vperm.xlane v2, v24;
	v12 =	vld [tilespmem:s24+$0xFFFFFF90];
	(xrf2) =	vadd.scan.msk.f32 $0xffff, v7;
	v7 =	vsub.f32 $0.0e+00, v26;
	v21 =	vsub.f32 $0.0e+00, v3  }
0xdd: {  	v5 =	vsub.f32 $0.0e+00, v5;
	v11 =	vperm.xlane v2, v22;
	[tilespmem:v9+s16+$0x0] =	vst.idx.add.f32.msk vm10, v3  }
0xde: {  	v9 =	vperm.xlane v2, v13;
	v13 =	vperm.xlane v27, v1;
	[tilespmem:v19+s16+$0x0] =	vst.idx.add.f32.msk vm6, v21  }
0xdf: {  	v18 =	vperm.xlane v2, v18;
	(xrf2) =	vadd.scan.msk.f32 $0xffff, v8;
	[tilespmem:v10+s16+$0x0] =	vst.idx.add.f32.msk vm3, v5  }
0xe0: {  	vm3 =	vne.s32 v27, v13;
	[tilespmem:v16+s16+$0x0] =	vst.idx.add.f32.msk vm4, v6  }
0xe1: {  	v10 =	vperm.xlane v17, v1;
	vm4 =	vmor vm3, vm0;
	[tilespmem:v4+s16+$0x0] =	vst.idx.add.f32.msk vm2, v7  }
0xe2: {  	(xrf2) =	vadd.scan.msk.f32 $0xffff, v14;
	[tilespmem:v20+s16+$0x0] =	vst.idx.add.f32.msk vm5, v23  }
0xe3: {  	vm2 =	vne.s32 v17, v10;
	v3 =	vld [tilespmem:s22+$0xFFFFFFA0]  }
0xe4: {  	v5 =	vperm.xlane v15, v1;
	vm5 =	vmor vm2, vm0;
	v6 =	vld [tilespmem:s22+$0xFFFFFF90]  }
0xe5: {  	v14 =	vld [tilespmem:s24+$0x0];
	(xrf2) =	vadd.scan.msk.f32 $0xffff, v18  }
0xe6: {  	vm1 =	vne.s32 v15, v5;
	v7 =	vld [tilespmem:s22+$0xFFFFFFB0];
	v4, _, _ =	vpop (xrf2)  }
0xe7: {  	v12 =	vperm.xlane v2, v12;
	vm6 =	vmor vm1, vm0;
	[tilespmem:v27+s16+$0x0] =	vst.idx.add.f32.msk vm4, v4;
	v16 =	vsub.f32 $0.0e+00, v4  }
0xe8: {  	v8 =	vld [tilespmem:s22+$0xFFFFFFC0];
	(xrf2) =	vadd.scan.msk.f32 $0xffff, v9  }
.Ltmp11:
0xe9: {  	v4 =	vperm.xlane v6, v1;
	[tilespmem:v13+s16+$0x0] =	vst.idx.add.f32.msk vm3, v16;
	v9, _, _ =	vpop (xrf2);
	(pc) =	sbr.rel @p1 .LBB2_21-.Ltmp11, $4  }
0xea: {  	[tilespmem:v17+s16+$0x0] =	vst.idx.add.f32.msk vm5, v9;
	v16 =	vsub.f32 $0.0e+00, v9;
	v13 =	vperm.xlane v2, v14  }
0xeb: {  	v9 =	vld [tilespmem:s22+$0x0];
	(xrf2) =	vadd.scan.msk.f32 $0xffff, v12  }
0xec: {  	[tilespmem:v10+s16+$0x0] =	vst.idx.add.f32.msk vm2, v16;
	v12, _, _ =	vpop (xrf2)  }
0xed: {  	s24 =	sadd.s32 $0x100, s24;
	v10 =	vperm.xlane v8, v1;
	[tilespmem:v15+s16+$0x0] =	vst.idx.add.f32.msk vm6, v12;
	v12 =	vsub.f32 $0.0e+00, v12  }
0xee: {  	v58 =	vperm.xlane v7, v1  }
0xef: {  	(xrf2) =	vadd.scan.msk.f32 $0xffff, v11;
	vm2 =	vne.s32 v6, v4;
	v59 =	vperm.xlane v3, v1  }
0xf0: {  	(xrf2) =	vadd.scan.msk.f32 $0xffff, v13;
	vm3 =	vmor vm2, vm0;
	vm4 =	vne.s32 v7, v58  }
0xf1: {  	vm8 =	vne.s32 v3, v59;
	vm6 =	vmor vm4, vm0  }
0xf2: {  	vm10 =	vmor vm8, vm0  }
0xf3: {  	v15, _, _ =	vpop (xrf2);
	v14 =	vperm.xlane v9, v1  }
0xf4: {  	vm5 =	vne.s32 v8, v10;
	v16, _, _ =	vpop (xrf2)  }
0xf5: {  	[tilespmem:v5+s16+$0x0] =	vst.idx.add.f32.msk vm1, v12;
	vm7 =	vmor vm5, vm0;
	vm9 =	vne.s32 v9, v14;
	v17, _, _ =	vpop (xrf2)  }
0xf6: {  	vm11 =	vmor vm9, vm0;
	[tilespmem:v6+s16+$0x0] =	vst.idx.add.f32.msk vm3, v17  }
0xf7: {  	v62 =	vsub.f32 $0.0e+00, v16;
	[tilespmem:v7+s16+$0x0] =	vst.idx.add.f32.msk vm6, v16  }
0xf8: {  	v63 =	vsub.f32 $0.0e+00, v15;
	[tilespmem:v3+s16+$0x0] =	vst.idx.add.f32.msk vm10, v15  }
0xf9: {  	v60, _, _ =	vpop (xrf2);
	[tilespmem:v58+s16+$0x0] =	vst.idx.add.f32.msk vm4, v62  }
0xfa: {  	[tilespmem:v59+s16+$0x0] =	vst.idx.add.f32.msk vm8, v63;
	v61, _, _ =	vpop (xrf2)  }
.Ltmp12:
0xfb: {  	[tilespmem:v8+s16+$0x0] =	vst.idx.add.f32.msk vm7, v60;
	v3 =	vsub.f32 $0.0e+00, v61;
	(pc) =	sbr.rel @p0 .LBB2_28-.Ltmp12, $4  }
0xfc: {  	v5 =	vsub.f32 $0.0e+00, v60;
	[tilespmem:v9+s16+$0x0] =	vst.idx.add.f32.msk vm11, v61  }
0xfd: {  	[tilespmem:v14+s16+$0x0] =	vst.idx.add.f32.msk vm9, v3;
	v3 =	vsub.f32 $0.0e+00, v17  }
0xfe: {  	[tilespmem:v10+s16+$0x0] =	vst.idx.add.f32.msk vm5, v5  }
0xff: {  	[tilespmem:v4+s16+$0x0] =	vst.idx.add.f32.msk vm2, v3  }
0x100: {  	s21 =	sadd.s32 s21, s11  }
0x101: {  	s21 =	sshrl.u32 s21, $0x3  }
0x102: {  	s23 =	simm.s32 $0x4100;
	s22 =	sadd.s32 s1, s21  }
0x103: {  	s24 =	simm.s32 $0x10;
	s25 =	simm.s32 $0x4200;
	s26 =	sadd.s32 $0x0, s22  }
.LBB2_24:
0x104: {  	[tilespmem:s23], [sflag:$0x2] =	stream.linear.gather [hbm4b:s26+s5], $0x80, $0x38;
	[tilespmem:$0x14080] =	vst v63  }
0x105: {  	s26 =	smov.u32 s24;
	s23 =	smov.u32 s25;
	p0 =	sne.s32 s24, $0x7F0  }
.Ltmp13:
0x106: {  	s24 =	sadd.s32 $0x10, s24;
	(pc) =	sbr.rel @p0 .LBB2_24-.Ltmp13, $2  }
0x107: {  	_ =	sdelay $0x2  }
0x108: {  	s25 =	sadd.s32 $0x100, s25;
	s26 =	sadd.s32 s26, s22  }
0x109: {  	[tilespmem:s23], [sflag:$0x2] =	stream.linear.gather [hbm4b:s26+s5], $0x80, $0x38;
	[tilespmem:$0x14080] =	vst v63  }
0x10a: {  	s21 =	sadd.s32 s2, s21;
	s22 =	simm.s32 $0xC100  }
0x10b: {  	s23 =	simm.s32 $0x10;
	s24 =	simm.s32 $0xC200;
	s25 =	sadd.s32 $0x0, s21  }
.LBB2_26:
0x10c: {  	[tilespmem:s22], [sflag:$0x2] =	stream.linear.gather [hbm4b:s25+s5], $0x80, $0x38;
	[tilespmem:$0x14080] =	vst v63  }
0x10d: {  	s25 =	smov.u32 s23;
	s22 =	smov.u32 s24;
	p0 =	sne.s32 s23, $0x7F0  }
.Ltmp14:
0x10e: {  	s23 =	sadd.s32 $0x10, s23;
	(pc) =	sbr.rel @p0 .LBB2_26-.Ltmp14, $2  }
0x10f: {  	_ =	sdelay $0x2  }
0x110: {  	s24 =	sadd.s32 $0x100, s24;
	s25 =	sadd.s32 s25, s21  }
.Ltmp15:
0x111: {  	(pc) =	sbr.rel .LBB2_12-.Ltmp15, $3  }
0x112: {  	_ =	sdelay $0x1  }
0x113: {  	[tilespmem:s22], [sflag:$0x2] =	stream.linear.gather [hbm4b:s25+s5], $0x80, $0x38;
	[tilespmem:$0x14080] =	vst v63  }
0x114: {  	s20 =	sadd.s32 $0x1, s20  }
.LBB2_29:
0x115: {  	_ =	sfence.sel $0x180000  }
0x116: {  	[bflag:$0x0] =	sbarrier.arrive $0xFFFF  }
0x117: {  	p0 =	sne.s32 s0, $0x0;
	_ =	strace $0x90000047  }
0x118: {  	s0 =	sadd.s32 @!p0 $0x100000, s3;
	[bflag:$0x2] =	sbarrier.arrive $0xFFFF  }
0x119: {  	[sflag:s0] =	ssyncadd.tile.s32 @!p0 $0x1;
	_ =	shalt  }
.Lfunc_end2:
_tile_overlayer_lowered:
.L_overlay_start_2:
0x11a: {  	(tag) =	ssettag $0x2  }
0x11b: {  	s0 =	rddreg [dreg:$0x0];
	s2 =	stileid.u32  }
0x11c: {  	s1 =	rddreg [dreg:$0x1];
	p0 =	sne.s32 s2, $0x0  }
0x11d: {  	s3 =	rddreg [dreg:$0x2];
	[bflag:$0x3] =	sbarrier.arrive $0xFFFF;
	s2 =	simm.s32 @!p0 $0x1C03  }
0x11e: {  	[timem:s3], [sflag:s2] =	dma.local @!p0 [hbm:s0], s1  }
0x11f: {  	s0 =	simm.s32 @!p0 $0x3  }
0x120: {  	_ =	swait.ge @!p0 [sflag:s0], s1  }
0x121: {  	s1 =	ssub.s32 @!p0 $0x0, s1;
	[sflag:s0] =	ssyncset.done @!p0 $0x0  }
0x122: {  	[sflag:s0] =	ssyncadd.s32 @!p0 s1  }
0x123: {  	[bflag:$0x3] =	sbarrier.arrive $0xFFFF  }
0x124: {  	_ =	shalt  }

</sc_bundles>
